<compile_context>
chip_gen: v7x
topology: tpu7x:2x2x1
jax: 0.10.2.dev20260603
libtpu: 0.0.44.dev20260713+nightly
codegen_flags: <defaults>
</compile_context>

<pallas_src>
import functools

import jax
import jax.numpy as jnp
from jax import lax
from jax.experimental import pallas as pl
from jax.experimental.pallas import tpu as pltpu
from jax.experimental.pallas import tpu_sc as plsc

_NUM_EXPERTS = 8
_MOE_DIM = 768
_FF_DIM = 1024
_BEH_DIM = 64
_BEH_PAD = 128
_N_TOK = 2048
_TILE = 256
_P = 2360

_NC, _NS = 2, 16
_NW = _NC * _NS
_CHUNK = _N_TOK // _NW


def _dispatch(hidden, beh_emb, bidx, dst):
    mesh = plsc.VectorSubcoreMesh(core_axis_name="c", subcore_axis_name="s")

    @functools.partial(
        pl.kernel,
        mesh=mesh,
        out_type=(
            jax.ShapeDtypeStruct((_P, _MOE_DIM), jnp.float32),
            jax.ShapeDtypeStruct((_P, _BEH_PAD), jnp.float32),
        ),
        scratch_types=[
            pltpu.VMEM((_CHUNK,), jnp.int32),
            pltpu.VMEM((_CHUNK,), jnp.int32),
            pltpu.VMEM((_CHUNK, _MOE_DIM), jnp.float32),
            pltpu.VMEM((_CHUNK, _BEH_PAD), jnp.float32),
            pltpu.SemaphoreType.DMA,
            pltpu.SemaphoreType.DMA,
            pltpu.SemaphoreType.DMA,
        ],
    )
    def k(hidden_hbm, emb_hbm, bidx_hbm, dst_hbm, xh_hbm, xb_hbm,
          idx_v, bidx_v, hid_v, beh_v, sem_a, sem_b, sem_c):
        wid = lax.axis_index("s") * _NC + lax.axis_index("c")
        base = wid * _CHUNK
        cp_dst = pltpu.async_copy(dst_hbm.at[pl.ds(base, _CHUNK)], idx_v, sem_a)
        cp_bi = pltpu.async_copy(bidx_hbm.at[pl.ds(base, _CHUNK)], bidx_v,
                                 sem_b)
        cp_hid = pltpu.async_copy(hidden_hbm.at[pl.ds(base, _CHUNK)], hid_v,
                                  sem_c)
        cp_bi.wait()
        cp_emb = pltpu.async_copy(emb_hbm.at[bidx_v], beh_v, sem_b)
        cp_dst.wait()
        cp_hid.wait()
        cp_xh = pltpu.async_copy(hid_v, xh_hbm.at[idx_v], sem_c)
        cp_emb.wait()
        cp_xb = pltpu.async_copy(beh_v, xb_hbm.at[idx_v], sem_b)
        cp_xh.wait()
        cp_xb.wait()

    return k(hidden, beh_emb, bidx, dst)


def _group_gemm(xh, xb, wi, wo, scalars):

    def body(sc_ref, xh_ref, xb_ref, wi_hbm, wo_hbm, y_ref,
             wi_buf, wo_buf, wi_sem, wo_sem):
        def start_w(e, slot):
            pltpu.make_async_copy(wi_hbm.at[e], wi_buf.at[slot],
                                  wi_sem.at[slot]).start()
            pltpu.make_async_copy(wo_hbm.at[e], wo_buf.at[slot],
                                  wo_sem.at[slot]).start()

        def wait_w(e, slot):
            pltpu.make_async_copy(wi_hbm.at[e], wi_buf.at[slot],
                                  wi_sem.at[slot]).wait()
            pltpu.make_async_copy(wo_hbm.at[e], wo_buf.at[slot],
                                  wo_sem.at[slot]).wait()

        start_w(0, 0)
        start_w(1, 1)
        for e in range(_NUM_EXPERTS):
            slot = e % 3
            if e + 2 < _NUM_EXPERTS:
                start_w(e + 2, (e + 2) % 3)
            wait_w(e, slot)
            off = sc_ref[e]
            ntiles = sc_ref[_NUM_EXPERTS + e]
            wih = wi_buf[slot, :, :_MOE_DIM].astype(jnp.bfloat16)
            wib = wi_buf[slot, :, _MOE_DIM:_MOE_DIM + _BEH_DIM].astype(
                jnp.bfloat16)
            wout = wo_buf[slot].astype(jnp.bfloat16)

            def tile(k, carry):
                s = pl.multiple_of(off + k * _TILE, 8)
                xh16 = xh_ref[pl.ds(s, _TILE), :].astype(jnp.bfloat16)
                xb16 = xb_ref[pl.ds(s, _TILE), :_BEH_DIM].astype(jnp.bfloat16)
                acc = lax.dot_general(xh16, wih,
                                      (((1,), (1,)), ((), ())),
                                      preferred_element_type=jnp.float32)
                acc += lax.dot_general(xb16, wib,
                                       (((1,), (1,)), ((), ())),
                                       preferred_element_type=jnp.float32)
                inter = jnp.maximum(acc, 0.0).astype(jnp.bfloat16)
                y_ref[pl.ds(s, _TILE), :] = lax.dot_general(
                    inter, wout, (((1,), (1,)), ((), ())),
                    preferred_element_type=jnp.float32)
                return carry

            lax.fori_loop(0, ntiles, tile, 0)

    grid_spec = pltpu.PrefetchScalarGridSpec(
        num_scalar_prefetch=1,
        grid=(1,),
        in_specs=[
            pl.BlockSpec((_P, _MOE_DIM), lambda i, sc: (0, 0)),
            pl.BlockSpec((_P, _BEH_PAD), lambda i, sc: (0, 0)),
            pl.BlockSpec(memory_space=pl.ANY),
            pl.BlockSpec(memory_space=pl.ANY),
        ],
        out_specs=pl.BlockSpec((_P, _MOE_DIM), lambda i, sc: (0, 0)),
        scratch_shapes=[
            pltpu.VMEM((3, _FF_DIM, _MOE_DIM + _BEH_DIM), jnp.float32),
            pltpu.VMEM((3, _MOE_DIM, _FF_DIM), jnp.float32),
            pltpu.SemaphoreType.DMA((3,)),
            pltpu.SemaphoreType.DMA((3,)),
        ],
    )
    return pl.pallas_call(
        body,
        grid_spec=grid_spec,
        out_shape=jax.ShapeDtypeStruct((_P, _MOE_DIM), jnp.float32),
    )(scalars, xh, xb, wi, wo)


def _unsort(y_pad, dst):
    mesh = plsc.VectorSubcoreMesh(core_axis_name="c", subcore_axis_name="s")

    @functools.partial(
        pl.kernel,
        mesh=mesh,
        out_type=jax.ShapeDtypeStruct((_N_TOK, _MOE_DIM), jnp.float32),
        scratch_types=[
            pltpu.VMEM((_CHUNK,), jnp.int32),
            pltpu.VMEM((_CHUNK, _MOE_DIM), jnp.float32),
            pltpu.SemaphoreType.DMA,
        ],
    )
    def k(y_hbm, dst_hbm, o_hbm, idx_v, rows_v, sem):
        wid = lax.axis_index("s") * _NC + lax.axis_index("c")
        base = wid * _CHUNK
        pltpu.sync_copy(dst_hbm.at[pl.ds(base, _CHUNK)], idx_v)
        pltpu.async_copy(y_hbm.at[idx_v], rows_v, sem).wait()
        pltpu.sync_copy(rows_v, o_hbm.at[pl.ds(base, _CHUNK)])

    return k(y_pad, dst)


def _routing(pos):
    onehot = (pos[:, None] == jnp.arange(_NUM_EXPERTS, dtype=jnp.int32)[None, :]
              ).astype(jnp.int32)
    csum = jnp.cumsum(onehot, axis=0)
    counts = csum[-1]
    rank = jnp.sum(csum * onehot, axis=1) - 1
    pad8 = ((counts + 7) // 8) * 8
    off8 = jnp.cumsum(pad8) - pad8
    dst = (jnp.sum(off8[None, :] * onehot, axis=1) + rank).astype(jnp.int32)
    ntiles = (counts + _TILE - 1) // _TILE
    scalars = jnp.concatenate([off8, ntiles]).astype(jnp.int32)
    return dst, scalars


def kernel(hidden_states, position_index, behavior_index, Wi, Wo,
           behavior_embedding):
    pos = position_index.astype(jnp.int32)
    bidx = behavior_index.astype(jnp.int32)
    dst, scalars = _routing(pos)
    emb_pad = jnp.pad(behavior_embedding, ((0, 0), (0, _BEH_PAD - _BEH_DIM)))
    xh, xb = _dispatch(hidden_states, emb_pad, bidx, dst)
    y_pad = _group_gemm(xh, xb, Wi, Wo, scalars)
    return _unsort(y_pad, dst)

# --- scband reference (transcript-rebuilt; emitter-appended) ---
"""Pipeline reference for scband-pbatransformer-sparse-mlp-16569983828105 (READ-ONLY COPY).

The authoritative reference and input builder live on the scoring server;
editing this copy changes nothing except your own understanding.
"""

import jax, jax.numpy as jnp
import numpy as np

NUM_EXPERTS = 8
MOE_DIM = 768
FF_DIM = 1024
BEH_DIM = 64
NUM_BEH = 16
N_TOK = 2048

def setup_inputs(seed: int = 0) -> dict:
    key = jax.random.key(seed)
    k1, k2, k3, k4, k5, k6 = jax.random.split(key, 6)
    hidden_states = jax.random.normal(k1, (N_TOK, MOE_DIM), dtype=jnp.float32)
    position_index = jax.random.randint(k2, (N_TOK,), 0, NUM_EXPERTS, dtype=jnp.int64 if jax.config.jax_enable_x64 else jnp.int32)
    behavior_index = jax.random.randint(k3, (N_TOK,), 0, NUM_BEH + 1, dtype=jnp.int64 if jax.config.jax_enable_x64 else jnp.int32)
    in_dim = MOE_DIM + BEH_DIM
    # torch nn.Linear weights: [out_features, in_features], y = x @ W.T
    Wi = jax.random.normal(k4, (NUM_EXPERTS, FF_DIM, in_dim), dtype=jnp.float32) * (1.0 / np.sqrt(in_dim))
    Wo = jax.random.normal(k5, (NUM_EXPERTS, MOE_DIM, FF_DIM), dtype=jnp.float32) * (1.0 / np.sqrt(FF_DIM))
    behavior_embedding = jax.random.normal(k6, (NUM_BEH + 1, BEH_DIM), dtype=jnp.float32)
    return {"hidden_states": hidden_states, "position_index": position_index, "behavior_index": behavior_index, "Wi": Wi, "Wo": Wo, "behavior_embedding": behavior_embedding}

def reference(hidden_states, position_index, behavior_index, Wi, Wo, behavior_embedding):
    # behavior injection: embedding lookup (gather) + concat
    beh = jnp.take(behavior_embedding, behavior_index, axis=0)
    h = jnp.concatenate([hidden_states, beh], axis=-1)
    next_states = jnp.zeros_like(hidden_states)
    # sparse expert dispatch: hard assignment by position_index.
    # Bias-free MLP => masking inputs and outputs is exactly equivalent to
    # boolean gather/scatter in the torch module (relu(0 @ W) @ W2 == 0).
    for e in range(NUM_EXPERTS):
        mask = (position_index == e).astype(h.dtype)[:, None]
        xe = h * mask
        inter = jax.nn.relu(xe @ Wi[e].T)
        out = inter @ Wo[e].T  # dropout_rate=0.0 -> identity
        next_states = next_states + out * mask
    return next_states

if __name__ == "__main__":
    import jax
    _d = setup_inputs()
    print(jax.jit(kernel)(*tuple(_d.values())))

</pallas_src>

<mosaic_0001>
#map = affine_map<(d0, d1) -> (0, 0)>
#map1 = affine_map<(d0, d1) -> (0)>
module attributes {stable_mosaic.version = 14 : i64} {
  func.func @k(%arg0: i32, %arg1: i32, %arg2: memref<2360x768xf32, #tpu.memory_space<hbm>>, %arg3: memref<2048xi32, #tpu.memory_space<hbm>>, %arg4: memref<2048x768xf32, #tpu.memory_space<hbm>>, %arg5: memref<64xi32, #tpu.memory_space<vmem>>, %arg6: memref<64x768xf32, #tpu.memory_space<vmem>>, %arg7: memref<!tpu.dma_semaphore, #tpu.memory_space<semaphore_mem>>) attributes {dimension_semantics = [#tpu.dimension_semantics<core_parallel>, #tpu.dimension_semantics<subcore_parallel>], iteration_bounds = array<i64: 2, 16>, scalar_prefetch = 0 : i64, scratch_operands = 3 : i64, tpu.core_type = #tpu.core_type<sc_vector_subcore>, window_params = [{transform_indices = #map}, {transform_indices = #map1}, {transform_indices = #map}]} {
    %mul3A = arith.constant 2 : i32
    %mul3A_0 = arith.muli %arg1, %mul3A : i32
    %add3A = arith.addi %mul3A_0, %arg0 : i32
    %mul3A_1 = arith.constant 64 : i32
    %mul3A_2 = arith.muli %add3A, %mul3A_1 : i32
    "tpu.region"() ({
      %run_scoped3A = tpu.sem_alloc : memref<!tpu.dma_semaphore, #tpu.memory_space<semaphore_mem>>
      %dma_start3A_7 = tpu.memref_slice %arg3[%mul3A_2] : memref<2048xi32, #tpu.memory_space<hbm>> -> memref<64xi32, #tpu.memory_space<hbm>>
      %dma_start3A_8 = tpu.memref_slice %arg3[%mul3A_2] : memref<2048xi32, #tpu.memory_space<hbm>> -> memref<64xi32, #tpu.memory_space<hbm>>
      tpu.enqueue_dma source(%dma_start3A_8 : memref<64xi32, #tpu.memory_space<hbm>>) target(%arg5 : memref<64xi32, #tpu.memory_space<vmem>>) target_semaphore(%run_scoped3A : memref<!tpu.dma_semaphore, #tpu.memory_space<semaphore_mem>>)
      %dma_wait3A_9 = tpu.memref_slice %arg3[%mul3A_2] : memref<2048xi32, #tpu.memory_space<hbm>> -> memref<64xi32, #tpu.memory_space<hbm>>
      %dma_wait3A_10 = tpu.memref_slice %arg3[%mul3A_2] : memref<2048xi32, #tpu.memory_space<hbm>> -> memref<64xi32, #tpu.memory_space<hbm>>
      tpu.wait_dma2 semaphore(%run_scoped3A : memref<!tpu.dma_semaphore, #tpu.memory_space<semaphore_mem>>) src(%dma_wait3A_10 : memref<64xi32, #tpu.memory_space<hbm>>) dst(%arg5 : memref<64xi32, #tpu.memory_space<vmem>>)
      tpu.yield
    }) : () -> ()
    %dma_start3A = arith.constant 0 : i32
    %dma_start3A_3 = arith.constant 0 : i32
    %dma_start3A_4 = tpu.memref_slice %arg2[%dma_start3A, %dma_start3A_3] : memref<2360x768xf32, #tpu.memory_space<hbm>> -> memref<2360x768xf32, #tpu.memory_space<hbm>>
    tpu.enqueue_indirect_dma source(%dma_start3A_4 : memref<2360x768xf32, #tpu.memory_space<hbm>>) target(%arg6 : memref<64x768xf32, #tpu.memory_space<vmem>>) offsets(%arg5 : memref<64xi32, #tpu.memory_space<vmem>>) semaphore(%arg7 : memref<!tpu.dma_semaphore, #tpu.memory_space<semaphore_mem>>)
    %dma_wait3A = arith.constant 0 : i32
    %dma_wait3A_5 = arith.constant 0 : i32
    %dma_wait3A_6 = tpu.memref_slice %arg2[%dma_wait3A, %dma_wait3A_5] : memref<2360x768xf32, #tpu.memory_space<hbm>> -> memref<2360x768xf32, #tpu.memory_space<hbm>>
    tpu.wait_indirect_dma semaphore(%arg7 : memref<!tpu.dma_semaphore, #tpu.memory_space<semaphore_mem>>) src(%dma_wait3A_6 : memref<2360x768xf32, #tpu.memory_space<hbm>>) dst(%arg6 : memref<64x768xf32, #tpu.memory_space<vmem>>)
    "tpu.region"() ({
      %run_scoped3A = tpu.sem_alloc : memref<!tpu.dma_semaphore, #tpu.memory_space<semaphore_mem>>
      %dma_start3A_7 = arith.constant 0 : i32
      %dma_start3A_8 = tpu.memref_slice %arg4[%mul3A_2, %dma_start3A_7] : memref<2048x768xf32, #tpu.memory_space<hbm>> -> memref<64x768xf32, #tpu.memory_space<hbm>>
      %dma_start3A_9 = arith.constant 0 : i32
      %dma_start3A_10 = tpu.memref_slice %arg4[%mul3A_2, %dma_start3A_9] : memref<2048x768xf32, #tpu.memory_space<hbm>> -> memref<64x768xf32, #tpu.memory_space<hbm>>
      tpu.enqueue_dma source(%arg6 : memref<64x768xf32, #tpu.memory_space<vmem>>) target(%dma_start3A_10 : memref<64x768xf32, #tpu.memory_space<hbm>>) target_semaphore(%run_scoped3A : memref<!tpu.dma_semaphore, #tpu.memory_space<semaphore_mem>>)
      %dma_wait3A_11 = arith.constant 0 : i32
      %dma_wait3A_12 = tpu.memref_slice %arg4[%mul3A_2, %dma_wait3A_11] : memref<2048x768xf32, #tpu.memory_space<hbm>> -> memref<64x768xf32, #tpu.memory_space<hbm>>
      %dma_wait3A_13 = arith.constant 0 : i32
      %dma_wait3A_14 = tpu.memref_slice %arg4[%mul3A_2, %dma_wait3A_13] : memref<2048x768xf32, #tpu.memory_space<hbm>> -> memref<64x768xf32, #tpu.memory_space<hbm>>
      tpu.wait_dma2 semaphore(%run_scoped3A : memref<!tpu.dma_semaphore, #tpu.memory_space<semaphore_mem>>) src(%arg6 : memref<64x768xf32, #tpu.memory_space<vmem>>) dst(%dma_wait3A_14 : memref<64x768xf32, #tpu.memory_space<hbm>>)
      tpu.yield
    }) : () -> ()
    return
  }
}

#map = affine_map<(d0, d1) -> (0, 0)>
#map1 = affine_map<(d0, d1) -> (0)>
module attributes {stable_mosaic.version = 14 : i64} {
  func.func @k(%arg0: i32, %arg1: i32, %arg2: memref<2048x768xf32, #tpu.memory_space<hbm>>, %arg3: memref<17x128xf32, #tpu.memory_space<hbm>>, %arg4: memref<2048xi32, #tpu.memory_space<hbm>>, %arg5: memref<2048xi32, #tpu.memory_space<hbm>>, %arg6: memref<2360x768xf32, #tpu.memory_space<hbm>>, %arg7: memref<2360x128xf32, #tpu.memory_space<hbm>>, %arg8: memref<64xi32, #tpu.memory_space<vmem>>, %arg9: memref<64xi32, #tpu.memory_space<vmem>>, %arg10: memref<64x768xf32, #tpu.memory_space<vmem>>, %arg11: memref<64x128xf32, #tpu.memory_space<vmem>>, %arg12: memref<!tpu.dma_semaphore, #tpu.memory_space<semaphore_mem>>, %arg13: memref<!tpu.dma_semaphore, #tpu.memory_space<semaphore_mem>>, %arg14: memref<!tpu.dma_semaphore, #tpu.memory_space<semaphore_mem>>) attributes {dimension_semantics = [#tpu.dimension_semantics<core_parallel>, #tpu.dimension_semantics<subcore_parallel>], iteration_bounds = array<i64: 2, 16>, scalar_prefetch = 0 : i64, scratch_operands = 7 : i64, tpu.core_type = #tpu.core_type<sc_vector_subcore>, window_params = [{transform_indices = #map}, {transform_indices = #map}, {transform_indices = #map1}, {transform_indices = #map1}, {transform_indices = #map}, {transform_indices = #map}]} {
    %mul3A = arith.constant 2 : i32
    %mul3A_0 = arith.muli %arg1, %mul3A : i32
    %add3A = arith.addi %mul3A_0, %arg0 : i32
    %mul3A_1 = arith.constant 64 : i32
    %mul3A_2 = arith.muli %add3A, %mul3A_1 : i32
    %dma_start3A = tpu.memref_slice %arg5[%mul3A_2] : memref<2048xi32, #tpu.memory_space<hbm>> -> memref<64xi32, #tpu.memory_space<hbm>>
    %dma_start3A_3 = tpu.memref_slice %arg5[%mul3A_2] : memref<2048xi32, #tpu.memory_space<hbm>> -> memref<64xi32, #tpu.memory_space<hbm>>
    tpu.enqueue_dma source(%dma_start3A_3 : memref<64xi32, #tpu.memory_space<hbm>>) target(%arg8 : memref<64xi32, #tpu.memory_space<vmem>>) target_semaphore(%arg12 : memref<!tpu.dma_semaphore, #tpu.memory_space<semaphore_mem>>)
    %dma_start3A_4 = tpu.memref_slice %arg4[%mul3A_2] : memref<2048xi32, #tpu.memory_space<hbm>> -> memref<64xi32, #tpu.memory_space<hbm>>
    %dma_start3A_5 = tpu.memref_slice %arg4[%mul3A_2] : memref<2048xi32, #tpu.memory_space<hbm>> -> memref<64xi32, #tpu.memory_space<hbm>>
    tpu.enqueue_dma source(%dma_start3A_5 : memref<64xi32, #tpu.memory_space<hbm>>) target(%arg9 : memref<64xi32, #tpu.memory_space<vmem>>) target_semaphore(%arg13 : memref<!tpu.dma_semaphore, #tpu.memory_space<semaphore_mem>>)
    %dma_start3A_6 = arith.constant 0 : i32
    %dma_start3A_7 = tpu.memref_slice %arg2[%mul3A_2, %dma_start3A_6] : memref<2048x768xf32, #tpu.memory_space<hbm>> -> memref<64x768xf32, #tpu.memory_space<hbm>>
    %dma_start3A_8 = arith.constant 0 : i32
    %dma_start3A_9 = tpu.memref_slice %arg2[%mul3A_2, %dma_start3A_8] : memref<2048x768xf32, #tpu.memory_space<hbm>> -> memref<64x768xf32, #tpu.memory_space<hbm>>
    tpu.enqueue_dma source(%dma_start3A_9 : memref<64x768xf32, #tpu.memory_space<hbm>>) target(%arg10 : memref<64x768xf32, #tpu.memory_space<vmem>>) target_semaphore(%arg14 : memref<!tpu.dma_semaphore, #tpu.memory_space<semaphore_mem>>)
    %dma_wait3A = tpu.memref_slice %arg4[%mul3A_2] : memref<2048xi32, #tpu.memory_space<hbm>> -> memref<64xi32, #tpu.memory_space<hbm>>
    %dma_wait3A_10 = tpu.memref_slice %arg4[%mul3A_2] : memref<2048xi32, #tpu.memory_space<hbm>> -> memref<64xi32, #tpu.memory_space<hbm>>
    tpu.wait_dma2 semaphore(%arg13 : memref<!tpu.dma_semaphore, #tpu.memory_space<semaphore_mem>>) src(%dma_wait3A_10 : memref<64xi32, #tpu.memory_space<hbm>>) dst(%arg9 : memref<64xi32, #tpu.memory_space<vmem>>)
    %dma_start3A_11 = arith.constant 0 : i32
    %dma_start3A_12 = arith.constant 0 : i32
    %dma_start3A_13 = tpu.memref_slice %arg3[%dma_start3A_11, %dma_start3A_12] : memref<17x128xf32, #tpu.memory_space<hbm>> -> memref<17x128xf32, #tpu.memory_space<hbm>>
    tpu.enqueue_indirect_dma source(%dma_start3A_13 : memref<17x128xf32, #tpu.memory_space<hbm>>) target(%arg11 : memref<64x128xf32, #tpu.memory_space<vmem>>) offsets(%arg9 : memref<64xi32, #tpu.memory_space<vmem>>) semaphore(%arg13 : memref<!tpu.dma_semaphore, #tpu.memory_space<semaphore_mem>>)
    %dma_wait3A_14 = tpu.memref_slice %arg5[%mul3A_2] : memref<2048xi32, #tpu.memory_space<hbm>> -> memref<64xi32, #tpu.memory_space<hbm>>
    %dma_wait3A_15 = tpu.memref_slice %arg5[%mul3A_2] : memref<2048xi32, #tpu.memory_space<hbm>> -> memref<64xi32, #tpu.memory_space<hbm>>
    tpu.wait_dma2 semaphore(%arg12 : memref<!tpu.dma_semaphore, #tpu.memory_space<semaphore_mem>>) src(%dma_wait3A_15 : memref<64xi32, #tpu.memory_space<hbm>>) dst(%arg8 : memref<64xi32, #tpu.memory_space<vmem>>)
    %dma_wait3A_16 = arith.constant 0 : i32
    %dma_wait3A_17 = tpu.memref_slice %arg2[%mul3A_2, %dma_wait3A_16] : memref<2048x768xf32, #tpu.memory_space<hbm>> -> memref<64x768xf32, #tpu.memory_space<hbm>>
    %dma_wait3A_18 = arith.constant 0 : i32
    %dma_wait3A_19 = tpu.memref_slice %arg2[%mul3A_2, %dma_wait3A_18] : memref<2048x768xf32, #tpu.memory_space<hbm>> -> memref<64x768xf32, #tpu.memory_space<hbm>>
    tpu.wait_dma2 semaphore(%arg14 : memref<!tpu.dma_semaphore, #tpu.memory_space<semaphore_mem>>) src(%dma_wait3A_19 : memref<64x768xf32, #tpu.memory_space<hbm>>) dst(%arg10 : memref<64x768xf32, #tpu.memory_space<vmem>>)
    %dma_start3A_20 = arith.constant 0 : i32
    %dma_start3A_21 = arith.constant 0 : i32
    %dma_start3A_22 = tpu.memref_slice %arg6[%dma_start3A_20, %dma_start3A_21] : memref<2360x768xf32, #tpu.memory_space<hbm>> -> memref<2360x768xf32, #tpu.memory_space<hbm>>
    tpu.enqueue_indirect_dma source(%arg10 : memref<64x768xf32, #tpu.memory_space<vmem>>) target(%dma_start3A_22 : memref<2360x768xf32, #tpu.memory_space<hbm>>) offsets(%arg8 : memref<64xi32, #tpu.memory_space<vmem>>) semaphore(%arg14 : memref<!tpu.dma_semaphore, #tpu.memory_space<semaphore_mem>>)
    %dma_wait3A_23 = arith.constant 0 : i32
    %dma_wait3A_24 = arith.constant 0 : i32
    %dma_wait3A_25 = tpu.memref_slice %arg3[%dma_wait3A_23, %dma_wait3A_24] : memref<17x128xf32, #tpu.memory_space<hbm>> -> memref<17x128xf32, #tpu.memory_space<hbm>>
    tpu.wait_indirect_dma semaphore(%arg13 : memref<!tpu.dma_semaphore, #tpu.memory_space<semaphore_mem>>) src(%dma_wait3A_25 : memref<17x128xf32, #tpu.memory_space<hbm>>) dst(%arg11 : memref<64x128xf32, #tpu.memory_space<vmem>>)
    %dma_start3A_26 = arith.constant 0 : i32
    %dma_start3A_27 = arith.constant 0 : i32
    %dma_start3A_28 = tpu.memref_slice %arg7[%dma_start3A_26, %dma_start3A_27] : memref<2360x128xf32, #tpu.memory_space<hbm>> -> memref<2360x128xf32, #tpu.memory_space<hbm>>
    tpu.enqueue_indirect_dma source(%arg11 : memref<64x128xf32, #tpu.memory_space<vmem>>) target(%dma_start3A_28 : memref<2360x128xf32, #tpu.memory_space<hbm>>) offsets(%arg8 : memref<64xi32, #tpu.memory_space<vmem>>) semaphore(%arg13 : memref<!tpu.dma_semaphore, #tpu.memory_space<semaphore_mem>>)
    %dma_wait3A_29 = arith.constant 0 : i32
    %dma_wait3A_30 = arith.constant 0 : i32
    %dma_wait3A_31 = tpu.memref_slice %arg6[%dma_wait3A_29, %dma_wait3A_30] : memref<2360x768xf32, #tpu.memory_space<hbm>> -> memref<2360x768xf32, #tpu.memory_space<hbm>>
    tpu.wait_indirect_dma semaphore(%arg14 : memref<!tpu.dma_semaphore, #tpu.memory_space<semaphore_mem>>) src(%arg10 : memref<64x768xf32, #tpu.memory_space<vmem>>) dst(%dma_wait3A_31 : memref<2360x768xf32, #tpu.memory_space<hbm>>)
    %dma_wait3A_32 = arith.constant 0 : i32
    %dma_wait3A_33 = arith.constant 0 : i32
    %dma_wait3A_34 = tpu.memref_slice %arg7[%dma_wait3A_32, %dma_wait3A_33] : memref<2360x128xf32, #tpu.memory_space<hbm>> -> memref<2360x128xf32, #tpu.memory_space<hbm>>
    tpu.wait_indirect_dma semaphore(%arg13 : memref<!tpu.dma_semaphore, #tpu.memory_space<semaphore_mem>>) src(%arg11 : memref<64x128xf32, #tpu.memory_space<vmem>>) dst(%dma_wait3A_34 : memref<2360x128xf32, #tpu.memory_space<hbm>>)
    return
  }
}

module attributes {stable_mosaic.version = 14 : i64} {
  func.func @body(%arg0: i32, %arg1: memref<16xi32, #tpu.memory_space<smem>>, %arg2: memref<2360x768xf32, #tpu.memory_space<vmem>>, %arg3: memref<2360x128xf32, #tpu.memory_space<vmem>>, %arg4: memref<8x1024x832xf32, #tpu.memory_space<any>>, %arg5: memref<8x768x1024xf32, #tpu.memory_space<any>>, %arg6: memref<2360x768xf32, #tpu.memory_space<vmem>>, %arg7: memref<3x1024x832xf32, #tpu.memory_space<vmem>>, %arg8: memref<3x768x1024xf32, #tpu.memory_space<vmem>>, %arg9: memref<3x!tpu.dma_semaphore, #tpu.memory_space<semaphore_mem>>, %arg10: memref<3x!tpu.dma_semaphore, #tpu.memory_space<semaphore_mem>>) attributes {dimension_semantics = [#tpu.dimension_semantics<arbitrary>], iteration_bounds = array<i64: 1>, scalar_prefetch = 1 : i64, scratch_operands = 4 : i64, tpu.core_type = #tpu.core_type<tc>, window_params = [{pipeline_mode = #tpu.pipeline_mode<synchronous>, transform_indices = @transform_0, window_bounds = array<i64: 2360, 768>}, {pipeline_mode = #tpu.pipeline_mode<synchronous>, transform_indices = @transform_1, window_bounds = array<i64: 2360, 128>}, {}, {}, {pipeline_mode = #tpu.pipeline_mode<synchronous>, transform_indices = @transform_4, window_bounds = array<i64: 2360, 768>}]} {
    %dma_start3A = arith.constant 0 : i32
    %dma_start3A_0 = arith.constant 0 : i32
    %dma_start3A_1 = arith.constant 0 : i32
    %dma_start3A_2 = tpu.memref_slice %arg9[%dma_start3A_1] : memref<3x!tpu.dma_semaphore, #tpu.memory_space<semaphore_mem>> -> memref<1x!tpu.dma_semaphore, #tpu.memory_space<semaphore_mem>>
    %dma_start3A_3 = tpu.memref_squeeze %dma_start3A_2 : memref<1x!tpu.dma_semaphore, #tpu.memory_space<semaphore_mem>> -> memref<!tpu.dma_semaphore, #tpu.memory_space<semaphore_mem>>
    %dma_start3A_4 = arith.constant 0 : i32
    %dma_start3A_5 = arith.constant 0 : i32
    %dma_start3A_6 = tpu.memref_slice %arg7[%dma_start3A_0, %dma_start3A_4, %dma_start3A_5] : memref<3x1024x832xf32, #tpu.memory_space<vmem>> -> memref<1x1024x832xf32, #tpu.memory_space<vmem>>
    %dma_start3A_7 = tpu.memref_squeeze %dma_start3A_6 : memref<1x1024x832xf32, #tpu.memory_space<vmem>> -> memref<1024x832xf32, #tpu.memory_space<vmem>>
    %dma_start3A_8 = arith.constant 0 : i32
    %dma_start3A_9 = arith.constant 0 : i32
    %dma_start3A_10 = tpu.memref_slice %arg4[%dma_start3A, %dma_start3A_8, %dma_start3A_9] : memref<8x1024x832xf32, #tpu.memory_space<any>> -> memref<1x1024x832xf32, #tpu.memory_space<any>>
    %dma_start3A_11 = tpu.memref_squeeze %dma_start3A_10 : memref<1x1024x832xf32, #tpu.memory_space<any>> -> memref<1024x832xf32, #tpu.memory_space<any>>
    tpu.enqueue_dma source(%dma_start3A_11 : memref<1024x832xf32, #tpu.memory_space<any>>) target(%dma_start3A_7 : memref<1024x832xf32, #tpu.memory_space<vmem>>) target_semaphore(%dma_start3A_3 : memref<!tpu.dma_semaphore, #tpu.memory_space<semaphore_mem>>)
    %dma_start3A_12 = arith.constant 0 : i32
    %dma_start3A_13 = arith.constant 0 : i32
    %dma_start3A_14 = arith.constant 0 : i32
    %dma_start3A_15 = tpu.memref_slice %arg10[%dma_start3A_14] : memref<3x!tpu.dma_semaphore, #tpu.memory_space<semaphore_mem>> -> memref<1x!tpu.dma_semaphore, #tpu.memory_space<semaphore_mem>>
    %dma_start3A_16 = tpu.memref_squeeze %dma_start3A_15 : memref<1x!tpu.dma_semaphore, #tpu.memory_space<semaphore_mem>> -> memref<!tpu.dma_semaphore, #tpu.memory_space<semaphore_mem>>
    %dma_start3A_17 = arith.constant 0 : i32
    %dma_start3A_18 = arith.constant 0 : i32
    %dma_start3A_19 = tpu.memref_slice %arg8[%dma_start3A_13, %dma_start3A_17, %dma_start3A_18] : memref<3x768x1024xf32, #tpu.memory_space<vmem>> -> memref<1x768x1024xf32, #tpu.memory_space<vmem>>
    %dma_start3A_20 = tpu.memref_squeeze %dma_start3A_19 : memref<1x768x1024xf32, #tpu.memory_space<vmem>> -> memref<768x1024xf32, #tpu.memory_space<vmem>>
    %dma_start3A_21 = arith.constant 0 : i32
    %dma_start3A_22 = arith.constant 0 : i32
    %dma_start3A_23 = tpu.memref_slice %arg5[%dma_start3A_12, %dma_start3A_21, %dma_start3A_22] : memref<8x768x1024xf32, #tpu.memory_space<any>> -> memref<1x768x1024xf32, #tpu.memory_space<any>>
    %dma_start3A_24 = tpu.memref_squeeze %dma_start3A_23 : memref<1x768x1024xf32, #tpu.memory_space<any>> -> memref<768x1024xf32, #tpu.memory_space<any>>
    tpu.enqueue_dma source(%dma_start3A_24 : memref<768x1024xf32, #tpu.memory_space<any>>) target(%dma_start3A_20 : memref<768x1024xf32, #tpu.memory_space<vmem>>) target_semaphore(%dma_start3A_16 : memref<!tpu.dma_semaphore, #tpu.memory_space<semaphore_mem>>)
    %dma_start3A_25 = arith.constant 1 : i32
    %dma_start3A_26 = arith.constant 1 : i32
    %dma_start3A_27 = arith.constant 1 : i32
    %dma_start3A_28 = tpu.memref_slice %arg9[%dma_start3A_27] : memref<3x!tpu.dma_semaphore, #tpu.memory_space<semaphore_mem>> -> memref<1x!tpu.dma_semaphore, #tpu.memory_space<semaphore_mem>>
    %dma_start3A_29 = tpu.memref_squeeze %dma_start3A_28 : memref<1x!tpu.dma_semaphore, #tpu.memory_space<semaphore_mem>> -> memref<!tpu.dma_semaphore, #tpu.memory_space<semaphore_mem>>
    %dma_start3A_30 = arith.constant 0 : i32
    %dma_start3A_31 = arith.constant 0 : i32
    %dma_start3A_32 = tpu.memref_slice %arg7[%dma_start3A_26, %dma_start3A_30, %dma_start3A_31] : memref<3x1024x832xf32, #tpu.memory_space<vmem>> -> memref<1x1024x832xf32, #tpu.memory_space<vmem>>
    %dma_start3A_33 = tpu.memref_squeeze %dma_start3A_32 : memref<1x1024x832xf32, #tpu.memory_space<vmem>> -> memref<1024x832xf32, #tpu.memory_space<vmem>>
    %dma_start3A_34 = arith.constant 0 : i32
    %dma_start3A_35 = arith.constant 0 : i32
    %dma_start3A_36 = tpu.memref_slice %arg4[%dma_start3A_25, %dma_start3A_34, %dma_start3A_35] : memref<8x1024x832xf32, #tpu.memory_space<any>> -> memref<1x1024x832xf32, #tpu.memory_space<any>>
    %dma_start3A_37 = tpu.memref_squeeze %dma_start3A_36 : memref<1x1024x832xf32, #tpu.memory_space<any>> -> memref<1024x832xf32, #tpu.memory_space<any>>
    tpu.enqueue_dma source(%dma_start3A_37 : memref<1024x832xf32, #tpu.memory_space<any>>) target(%dma_start3A_33 : memref<1024x832xf32, #tpu.memory_space<vmem>>) target_semaphore(%dma_start3A_29 : memref<!tpu.dma_semaphore, #tpu.memory_space<semaphore_mem>>)
    %dma_start3A_38 = arith.constant 1 : i32
    %dma_start3A_39 = arith.constant 1 : i32
    %dma_start3A_40 = arith.constant 1 : i32
    %dma_start3A_41 = tpu.memref_slice %arg10[%dma_start3A_40] : memref<3x!tpu.dma_semaphore, #tpu.memory_space<semaphore_mem>> -> memref<1x!tpu.dma_semaphore, #tpu.memory_space<semaphore_mem>>
    %dma_start3A_42 = tpu.memref_squeeze %dma_start3A_41 : memref<1x!tpu.dma_semaphore, #tpu.memory_space<semaphore_mem>> -> memref<!tpu.dma_semaphore, #tpu.memory_space<semaphore_mem>>
    %dma_start3A_43 = arith.constant 0 : i32
    %dma_start3A_44 = arith.constant 0 : i32
    %dma_start3A_45 = tpu.memref_slice %arg8[%dma_start3A_39, %dma_start3A_43, %dma_start3A_44] : memref<3x768x1024xf32, #tpu.memory_space<vmem>> -> memref<1x768x1024xf32, #tpu.memory_space<vmem>>
    %dma_start3A_46 = tpu.memref_squeeze %dma_start3A_45 : memref<1x768x1024xf32, #tpu.memory_space<vmem>> -> memref<768x1024xf32, #tpu.memory_space<vmem>>
    %dma_start3A_47 = arith.constant 0 : i32
    %dma_start3A_48 = arith.constant 0 : i32
    %dma_start3A_49 = tpu.memref_slice %arg5[%dma_start3A_38, %dma_start3A_47, %dma_start3A_48] : memref<8x768x1024xf32, #tpu.memory_space<any>> -> memref<1x768x1024xf32, #tpu.memory_space<any>>
    %dma_start3A_50 = tpu.memref_squeeze %dma_start3A_49 : memref<1x768x1024xf32, #tpu.memory_space<any>> -> memref<768x1024xf32, #tpu.memory_space<any>>
    tpu.enqueue_dma source(%dma_start3A_50 : memref<768x1024xf32, #tpu.memory_space<any>>) target(%dma_start3A_46 : memref<768x1024xf32, #tpu.memory_space<vmem>>) target_semaphore(%dma_start3A_42 : memref<!tpu.dma_semaphore, #tpu.memory_space<semaphore_mem>>)
    %dma_start3A_51 = arith.constant 2 : i32
    %dma_start3A_52 = arith.constant 2 : i32
    %dma_start3A_53 = arith.constant 2 : i32
    %dma_start3A_54 = tpu.memref_slice %arg9[%dma_start3A_53] : memref<3x!tpu.dma_semaphore, #tpu.memory_space<semaphore_mem>> -> memref<1x!tpu.dma_semaphore, #tpu.memory_space<semaphore_mem>>
    %dma_start3A_55 = tpu.memref_squeeze %dma_start3A_54 : memref<1x!tpu.dma_semaphore, #tpu.memory_space<semaphore_mem>> -> memref<!tpu.dma_semaphore, #tpu.memory_space<semaphore_mem>>
    %dma_start3A_56 = arith.constant 0 : i32
    %dma_start3A_57 = arith.constant 0 : i32
    %dma_start3A_58 = tpu.memref_slice %arg7[%dma_start3A_52, %dma_start3A_56, %dma_start3A_57] : memref<3x1024x832xf32, #tpu.memory_space<vmem>> -> memref<1x1024x832xf32, #tpu.memory_space<vmem>>
    %dma_start3A_59 = tpu.memref_squeeze %dma_start3A_58 : memref<1x1024x832xf32, #tpu.memory_space<vmem>> -> memref<1024x832xf32, #tpu.memory_space<vmem>>
    %dma_start3A_60 = arith.constant 0 : i32
    %dma_start3A_61 = arith.constant 0 : i32
    %dma_start3A_62 = tpu.memref_slice %arg4[%dma_start3A_51, %dma_start3A_60, %dma_start3A_61] : memref<8x1024x832xf32, #tpu.memory_space<any>> -> memref<1x1024x832xf32, #tpu.memory_space<any>>
    %dma_start3A_63 = tpu.memref_squeeze %dma_start3A_62 : memref<1x1024x832xf32, #tpu.memory_space<any>> -> memref<1024x832xf32, #tpu.memory_space<any>>
    tpu.enqueue_dma source(%dma_start3A_63 : memref<1024x832xf32, #tpu.memory_space<any>>) target(%dma_start3A_59 : memref<1024x832xf32, #tpu.memory_space<vmem>>) target_semaphore(%dma_start3A_55 : memref<!tpu.dma_semaphore, #tpu.memory_space<semaphore_mem>>)
    %dma_start3A_64 = arith.constant 2 : i32
    %dma_start3A_65 = arith.constant 2 : i32
    %dma_start3A_66 = arith.constant 2 : i32
    %dma_start3A_67 = tpu.memref_slice %arg10[%dma_start3A_66] : memref<3x!tpu.dma_semaphore, #tpu.memory_space<semaphore_mem>> -> memref<1x!tpu.dma_semaphore, #tpu.memory_space<semaphore_mem>>
    %dma_start3A_68 = tpu.memref_squeeze %dma_start3A_67 : memref<1x!tpu.dma_semaphore, #tpu.memory_space<semaphore_mem>> -> memref<!tpu.dma_semaphore, #tpu.memory_space<semaphore_mem>>
    %dma_start3A_69 = arith.constant 0 : i32
    %dma_start3A_70 = arith.constant 0 : i32
    %dma_start3A_71 = tpu.memref_slice %arg8[%dma_start3A_65, %dma_start3A_69, %dma_start3A_70] : memref<3x768x1024xf32, #tpu.memory_space<vmem>> -> memref<1x768x1024xf32, #tpu.memory_space<vmem>>
    %dma_start3A_72 = tpu.memref_squeeze %dma_start3A_71 : memref<1x768x1024xf32, #tpu.memory_space<vmem>> -> memref<768x1024xf32, #tpu.memory_space<vmem>>
    %dma_start3A_73 = arith.constant 0 : i32
    %dma_start3A_74 = arith.constant 0 : i32
    %dma_start3A_75 = tpu.memref_slice %arg5[%dma_start3A_64, %dma_start3A_73, %dma_start3A_74] : memref<8x768x1024xf32, #tpu.memory_space<any>> -> memref<1x768x1024xf32, #tpu.memory_space<any>>
    %dma_start3A_76 = tpu.memref_squeeze %dma_start3A_75 : memref<1x768x1024xf32, #tpu.memory_space<any>> -> memref<768x1024xf32, #tpu.memory_space<any>>
    tpu.enqueue_dma source(%dma_start3A_76 : memref<768x1024xf32, #tpu.memory_space<any>>) target(%dma_start3A_72 : memref<768x1024xf32, #tpu.memory_space<vmem>>) target_semaphore(%dma_start3A_68 : memref<!tpu.dma_semaphore, #tpu.memory_space<semaphore_mem>>)
    %dma_wait3A = arith.constant 0 : i32
    %dma_wait3A_77 = arith.constant 0 : i32
    %dma_wait3A_78 = arith.constant 0 : i32
    %dma_wait3A_79 = tpu.memref_slice %arg9[%dma_wait3A_78] : memref<3x!tpu.dma_semaphore, #tpu.memory_space<semaphore_mem>> -> memref<1x!tpu.dma_semaphore, #tpu.memory_space<semaphore_mem>>
    %dma_wait3A_80 = tpu.memref_squeeze %dma_wait3A_79 : memref<1x!tpu.dma_semaphore, #tpu.memory_space<semaphore_mem>> -> memref<!tpu.dma_semaphore, #tpu.memory_space<semaphore_mem>>
    %dma_wait3A_81 = arith.constant 0 : i32
    %dma_wait3A_82 = arith.constant 0 : i32
    %dma_wait3A_83 = tpu.memref_slice %arg7[%dma_wait3A_77, %dma_wait3A_81, %dma_wait3A_82] : memref<3x1024x832xf32, #tpu.memory_space<vmem>> -> memref<1x1024x832xf32, #tpu.memory_space<vmem>>
    %dma_wait3A_84 = tpu.memref_squeeze %dma_wait3A_83 : memref<1x1024x832xf32, #tpu.memory_space<vmem>> -> memref<1024x832xf32, #tpu.memory_space<vmem>>
    %dma_wait3A_85 = arith.constant 0 : i32
    %dma_wait3A_86 = arith.constant 0 : i32
    %dma_wait3A_87 = tpu.memref_slice %arg4[%dma_wait3A, %dma_wait3A_85, %dma_wait3A_86] : memref<8x1024x832xf32, #tpu.memory_space<any>> -> memref<1x1024x832xf32, #tpu.memory_space<any>>
    %dma_wait3A_88 = tpu.memref_squeeze %dma_wait3A_87 : memref<1x1024x832xf32, #tpu.memory_space<any>> -> memref<1024x832xf32, #tpu.memory_space<any>>
    tpu.wait_dma2 semaphore(%dma_wait3A_80 : memref<!tpu.dma_semaphore, #tpu.memory_space<semaphore_mem>>) src(%dma_wait3A_88 : memref<1024x832xf32, #tpu.memory_space<any>>) dst(%dma_wait3A_84 : memref<1024x832xf32, #tpu.memory_space<vmem>>)
    %dma_wait3A_89 = arith.constant 0 : i32
    %dma_wait3A_90 = arith.constant 0 : i32
    %dma_wait3A_91 = arith.constant 0 : i32
    %dma_wait3A_92 = tpu.memref_slice %arg10[%dma_wait3A_91] : memref<3x!tpu.dma_semaphore, #tpu.memory_space<semaphore_mem>> -> memref<1x!tpu.dma_semaphore, #tpu.memory_space<semaphore_mem>>
    %dma_wait3A_93 = tpu.memref_squeeze %dma_wait3A_92 : memref<1x!tpu.dma_semaphore, #tpu.memory_space<semaphore_mem>> -> memref<!tpu.dma_semaphore, #tpu.memory_space<semaphore_mem>>
    %dma_wait3A_94 = arith.constant 0 : i32
    %dma_wait3A_95 = arith.constant 0 : i32
    %dma_wait3A_96 = tpu.memref_slice %arg8[%dma_wait3A_90, %dma_wait3A_94, %dma_wait3A_95] : memref<3x768x1024xf32, #tpu.memory_space<vmem>> -> memref<1x768x1024xf32, #tpu.memory_space<vmem>>
    %dma_wait3A_97 = tpu.memref_squeeze %dma_wait3A_96 : memref<1x768x1024xf32, #tpu.memory_space<vmem>> -> memref<768x1024xf32, #tpu.memory_space<vmem>>
    %dma_wait3A_98 = arith.constant 0 : i32
    %dma_wait3A_99 = arith.constant 0 : i32
    %dma_wait3A_100 = tpu.memref_slice %arg5[%dma_wait3A_89, %dma_wait3A_98, %dma_wait3A_99] : memref<8x768x1024xf32, #tpu.memory_space<any>> -> memref<1x768x1024xf32, #tpu.memory_space<any>>
    %dma_wait3A_101 = tpu.memref_squeeze %dma_wait3A_100 : memref<1x768x1024xf32, #tpu.memory_space<any>> -> memref<768x1024xf32, #tpu.memory_space<any>>
    tpu.wait_dma2 semaphore(%dma_wait3A_93 : memref<!tpu.dma_semaphore, #tpu.memory_space<semaphore_mem>>) src(%dma_wait3A_101 : memref<768x1024xf32, #tpu.memory_space<any>>) dst(%dma_wait3A_97 : memref<768x1024xf32, #tpu.memory_space<vmem>>)
    %get3A = arith.constant 0 : index
    %get3A_102 = memref.load %arg1[%get3A] : memref<16xi32, #tpu.memory_space<smem>>
    %get3A_103 = arith.constant 8 : index
    %get3A_104 = memref.load %arg1[%get3A_103] : memref<16xi32, #tpu.memory_space<smem>>
    %get3A_105 = arith.constant 0 : index
    %get3A_106 = arith.constant 0 : index
    %get3A_107 = arith.constant 0 : index
    %get3A_108 = vector.load %arg7[%get3A_105, %get3A_106, %get3A_107] : memref<3x1024x832xf32, #tpu.memory_space<vmem>>, vector<1x1024x768xf32>
    %get3A_109 = vector.shape_cast %get3A_108 : vector<1x1024x768xf32> to vector<1024x768xf32>
    %convert_element_type3A = arith.truncf %get3A_109 : vector<1024x768xf32> to vector<1024x768xbf16>
    %get3A_110 = arith.constant 0 : index
    %get3A_111 = arith.constant 0 : index
    %get3A_112 = arith.constant 768 : index
    %get3A_113 = vector.load %arg7[%get3A_110, %get3A_111, %get3A_112] : memref<3x1024x832xf32, #tpu.memory_space<vmem>>, vector<1x1024x64xf32>
    %get3A_114 = vector.shape_cast %get3A_113 : vector<1x1024x64xf32> to vector<1024x64xf32>
    %convert_element_type3A_115 = arith.truncf %get3A_114 : vector<1024x64xf32> to vector<1024x64xbf16>
    %get3A_116 = arith.constant 0 : index
    %get3A_117 = arith.constant 0 : index
    %get3A_118 = arith.constant 0 : index
    %get3A_119 = vector.load %arg8[%get3A_116, %get3A_117, %get3A_118] : memref<3x768x1024xf32, #tpu.memory_space<vmem>>, vector<1x768x1024xf32>
    %get3A_120 = vector.shape_cast %get3A_119 : vector<1x768x1024xf32> to vector<768x1024xf32>
    %convert_element_type3A_121 = arith.truncf %get3A_120 : vector<768x1024xf32> to vector<768x1024xbf16>
    %while3A = arith.constant 0 : i32
    %while3A_122 = arith.constant 0 : i32
    %while3A_123 = arith.subi %get3A_104, %while3A_122 : i32
    %while3A_124 = arith.addi %while3A_122, %while3A_123 : i32
    %while3A_125 = arith.constant 1 : i32
    %while3A_126 = arith.divsi %while3A_123, %while3A_125 : i32
    %while3A_127 = arith.muli %while3A_126, %while3A_125 : i32
    %while3A_128 = arith.addi %while3A_122, %while3A_127 : i32
    %while3A_129 = arith.constant 1 : i32
    scf.for %while3A_667 = %while3A_122 to %while3A_128 step %while3A_129  : i32 {
      %mul3A = arith.constant 256 : i32
      %mul3A_668 = arith.muli %while3A_667, %mul3A : i32
      %add3A = arith.addi %get3A_102, %mul3A_668 : i32
      %multiple_of3A = tpu.assume_multiple %add3A, 8 : i32
      %get3A_669 = arith.index_cast %multiple_of3A : i32 to index
      %get3A_670 = arith.constant 0 : index
      %get3A_671 = vector.load %arg2[%get3A_669, %get3A_670] : memref<2360x768xf32, #tpu.memory_space<vmem>>, vector<256x768xf32>
      %convert_element_type3A_672 = arith.truncf %get3A_671 : vector<256x768xf32> to vector<256x768xbf16>
      %get3A_673 = arith.index_cast %multiple_of3A : i32 to index
      %get3A_674 = arith.constant 0 : index
      %get3A_675 = vector.load %arg3[%get3A_673, %get3A_674] : memref<2360x128xf32, #tpu.memory_space<vmem>>, vector<256x64xf32>
      %convert_element_type3A_676 = arith.truncf %get3A_675 : vector<256x64xf32> to vector<256x64xbf16>
      %dot_general3A = arith.constant dense<0.000000e+00> : vector<256x1024xf32>
      %dot_general3A_677 = tpu.matmul %convert_element_type3A_672, %convert_element_type3A, %dot_general3A {dimension_numbers = #tpu.dot_dimension_numbers<[1], [1], [0], [0], [0, 0, 1, 0], [], []>, transpose_lhs_hint = false} : vector<256x768xbf16>, vector<1024x768xbf16>, vector<256x1024xf32> -> vector<256x1024xf32>
      %dot_general3A_678 = arith.constant dense<0.000000e+00> : vector<256x1024xf32>
      %dot_general3A_679 = tpu.matmul %convert_element_type3A_676, %convert_element_type3A_115, %dot_general3A_678 {dimension_numbers = #tpu.dot_dimension_numbers<[1], [1], [0], [0], [0, 0, 1, 0], [], []>, transpose_lhs_hint = false} : vector<256x64xbf16>, vector<1024x64xbf16>, vector<256x1024xf32> -> vector<256x1024xf32>
      %add3A_680 = arith.addf %dot_general3A_677, %dot_general3A_679 : vector<256x1024xf32>
      %max3A = arith.constant 0.000000e+00 : f32
      %max3A_681 = vector.broadcast %max3A : f32 to vector<256x1024xf32>
      %max3A_682 = arith.maximumf %add3A_680, %max3A_681 : vector<256x1024xf32>
      %convert_element_type3A_683 = arith.truncf %max3A_682 : vector<256x1024xf32> to vector<256x1024xbf16>
      %dot_general3A_684 = arith.constant dense<0.000000e+00> : vector<256x768xf32>
      %dot_general3A_685 = tpu.matmul %convert_element_type3A_683, %convert_element_type3A_121, %dot_general3A_684 {dimension_numbers = #tpu.dot_dimension_numbers<[1], [1], [0], [0], [0, 0, 1, 0], [], []>, transpose_lhs_hint = false} : vector<256x1024xbf16>, vector<768x1024xbf16>, vector<256x768xf32> -> vector<256x768xf32>
      %swap3A = arith.index_cast %multiple_of3A : i32 to index
      %swap3A_686 = arith.constant 0 : index
      %swap3A_687 = vector.load %arg6[%swap3A, %swap3A_686] : memref<2360x768xf32, #tpu.memory_space<vmem>>, vector<256x768xf32>
      tpu.vector_store %arg6[%swap3A, %swap3A_686], %dot_general3A_685 {strides = array<i32>} : memref<2360x768xf32, #tpu.memory_space<vmem>>, vector<256x768xf32>,
    }
    %while3A_130 = arith.constant 1 : i32
    scf.for %while3A_667 = %while3A_128 to %while3A_124 step %while3A_130  : i32 {
      %mul3A = arith.constant 256 : i32
      %mul3A_668 = arith.muli %while3A_667, %mul3A : i32
      %add3A = arith.addi %get3A_102, %mul3A_668 : i32
      %multiple_of3A = tpu.assume_multiple %add3A, 8 : i32
      %get3A_669 = arith.index_cast %multiple_of3A : i32 to index
      %get3A_670 = arith.constant 0 : index
      %get3A_671 = vector.load %arg2[%get3A_669, %get3A_670] : memref<2360x768xf32, #tpu.memory_space<vmem>>, vector<256x768xf32>
      %convert_element_type3A_672 = arith.truncf %get3A_671 : vector<256x768xf32> to vector<256x768xbf16>
      %get3A_673 = arith.index_cast %multiple_of3A : i32 to index
      %get3A_674 = arith.constant 0 : index
      %get3A_675 = vector.load %arg3[%get3A_673, %get3A_674] : memref<2360x128xf32, #tpu.memory_space<vmem>>, vector<256x64xf32>
      %convert_element_type3A_676 = arith.truncf %get3A_675 : vector<256x64xf32> to vector<256x64xbf16>
      %dot_general3A = arith.constant dense<0.000000e+00> : vector<256x1024xf32>
      %dot_general3A_677 = tpu.matmul %convert_element_type3A_672, %convert_element_type3A, %dot_general3A {dimension_numbers = #tpu.dot_dimension_numbers<[1], [1], [0], [0], [0, 0, 1, 0], [], []>, transpose_lhs_hint = false} : vector<256x768xbf16>, vector<1024x768xbf16>, vector<256x1024xf32> -> vector<256x1024xf32>
      %dot_general3A_678 = arith.constant dense<0.000000e+00> : vector<256x1024xf32>
      %dot_general3A_679 = tpu.matmul %convert_element_type3A_676, %convert_element_type3A_115, %dot_general3A_678 {dimension_numbers = #tpu.dot_dimension_numbers<[1], [1], [0], [0], [0, 0, 1, 0], [], []>, transpose_lhs_hint = false} : vector<256x64xbf16>, vector<1024x64xbf16>, vector<256x1024xf32> -> vector<256x1024xf32>
      %add3A_680 = arith.addf %dot_general3A_677, %dot_general3A_679 : vector<256x1024xf32>
      %max3A = arith.constant 0.000000e+00 : f32
      %max3A_681 = vector.broadcast %max3A : f32 to vector<256x1024xf32>
      %max3A_682 = arith.maximumf %add3A_680, %max3A_681 : vector<256x1024xf32>
      %convert_element_type3A_683 = arith.truncf %max3A_682 : vector<256x1024xf32> to vector<256x1024xbf16>
      %dot_general3A_684 = arith.constant dense<0.000000e+00> : vector<256x768xf32>
      %dot_general3A_685 = tpu.matmul %convert_element_type3A_683, %convert_element_type3A_121, %dot_general3A_684 {dimension_numbers = #tpu.dot_dimension_numbers<[1], [1], [0], [0], [0, 0, 1, 0], [], []>, transpose_lhs_hint = false} : vector<256x1024xbf16>, vector<768x1024xbf16>, vector<256x768xf32> -> vector<256x768xf32>
      %swap3A = arith.index_cast %multiple_of3A : i32 to index
      %swap3A_686 = arith.constant 0 : index
      %swap3A_687 = vector.load %arg6[%swap3A, %swap3A_686] : memref<2360x768xf32, #tpu.memory_space<vmem>>, vector<256x768xf32>
      tpu.vector_store %arg6[%swap3A, %swap3A_686], %dot_general3A_685 {strides = array<i32>} : memref<2360x768xf32, #tpu.memory_space<vmem>>, vector<256x768xf32>,
    }
    %dma_start3A_131 = arith.constant 3 : i32
    %dma_start3A_132 = arith.constant 0 : i32
    %dma_start3A_133 = arith.constant 0 : i32
    %dma_start3A_134 = tpu.memref_slice %arg9[%dma_start3A_133] : memref<3x!tpu.dma_semaphore, #tpu.memory_space<semaphore_mem>> -> memref<1x!tpu.dma_semaphore, #tpu.memory_space<semaphore_mem>>
    %dma_start3A_135 = tpu.memref_squeeze %dma_start3A_134 : memref<1x!tpu.dma_semaphore, #tpu.memory_space<semaphore_mem>> -> memref<!tpu.dma_semaphore, #tpu.memory_space<semaphore_mem>>
    %dma_start3A_136 = arith.constant 0 : i32
    %dma_start3A_137 = arith.constant 0 : i32
    %dma_start3A_138 = tpu.memref_slice %arg7[%dma_start3A_132, %dma_start3A_136, %dma_start3A_137] : memref<3x1024x832xf32, #tpu.memory_space<vmem>> -> memref<1x1024x832xf32, #tpu.memory_space<vmem>>
    %dma_start3A_139 = tpu.memref_squeeze %dma_start3A_138 : memref<1x1024x832xf32, #tpu.memory_space<vmem>> -> memref<1024x832xf32, #tpu.memory_space<vmem>>
    %dma_start3A_140 = arith.constant 0 : i32
    %dma_start3A_141 = arith.constant 0 : i32
    %dma_start3A_142 = tpu.memref_slice %arg4[%dma_start3A_131, %dma_start3A_140, %dma_start3A_141] : memref<8x1024x832xf32, #tpu.memory_space<any>> -> memref<1x1024x832xf32, #tpu.memory_space<any>>
    %dma_start3A_143 = tpu.memref_squeeze %dma_start3A_142 : memref<1x1024x832xf32, #tpu.memory_space<any>> -> memref<1024x832xf32, #tpu.memory_space<any>>
    tpu.enqueue_dma source(%dma_start3A_143 : memref<1024x832xf32, #tpu.memory_space<any>>) target(%dma_start3A_139 : memref<1024x832xf32, #tpu.memory_space<vmem>>) target_semaphore(%dma_start3A_135 : memref<!tpu.dma_semaphore, #tpu.memory_space<semaphore_mem>>)
    %dma_start3A_144 = arith.constant 3 : i32
    %dma_start3A_145 = arith.constant 0 : i32
    %dma_start3A_146 = arith.constant 0 : i32
    %dma_start3A_147 = tpu.memref_slice %arg10[%dma_start3A_146] : memref<3x!tpu.dma_semaphore, #tpu.memory_space<semaphore_mem>> -> memref<1x!tpu.dma_semaphore, #tpu.memory_space<semaphore_mem>>
    %dma_start3A_148 = tpu.memref_squeeze %dma_start3A_147 : memref<1x!tpu.dma_semaphore, #tpu.memory_space<semaphore_mem>> -> memref<!tpu.dma_semaphore, #tpu.memory_space<semaphore_mem>>
    %dma_start3A_149 = arith.constant 0 : i32
    %dma_start3A_150 = arith.constant 0 : i32
    %dma_start3A_151 = tpu.memref_slice %arg8[%dma_start3A_145, %dma_start3A_149, %dma_start3A_150] : memref<3x768x1024xf32, #tpu.memory_space<vmem>> -> memref<1x768x1024xf32, #tpu.memory_space<vmem>>
    %dma_start3A_152 = tpu.memref_squeeze %dma_start3A_151 : memref<1x768x1024xf32, #tpu.memory_space<vmem>> -> memref<768x1024xf32, #tpu.memory_space<vmem>>
    %dma_start3A_153 = arith.constant 0 : i32
    %dma_start3A_154 = arith.constant 0 : i32
    %dma_start3A_155 = tpu.memref_slice %arg5[%dma_start3A_144, %dma_start3A_153, %dma_start3A_154] : memref<8x768x1024xf32, #tpu.memory_space<any>> -> memref<1x768x1024xf32, #tpu.memory_space<any>>
    %dma_start3A_156 = tpu.memref_squeeze %dma_start3A_155 : memref<1x768x1024xf32, #tpu.memory_space<any>> -> memref<768x1024xf32, #tpu.memory_space<any>>
    tpu.enqueue_dma source(%dma_start3A_156 : memref<768x1024xf32, #tpu.memory_space<any>>) target(%dma_start3A_152 : memref<768x1024xf32, #tpu.memory_space<vmem>>) target_semaphore(%dma_start3A_148 : memref<!tpu.dma_semaphore, #tpu.memory_space<semaphore_mem>>)
    %dma_wait3A_157 = arith.constant 1 : i32
    %dma_wait3A_158 = arith.constant 1 : i32
    %dma_wait3A_159 = arith.constant 1 : i32
    %dma_wait3A_160 = tpu.memref_slice %arg9[%dma_wait3A_159] : memref<3x!tpu.dma_semaphore, #tpu.memory_space<semaphore_mem>> -> memref<1x!tpu.dma_semaphore, #tpu.memory_space<semaphore_mem>>
    %dma_wait3A_161 = tpu.memref_squeeze %dma_wait3A_160 : memref<1x!tpu.dma_semaphore, #tpu.memory_space<semaphore_mem>> -> memref<!tpu.dma_semaphore, #tpu.memory_space<semaphore_mem>>
    %dma_wait3A_162 = arith.constant 0 : i32
    %dma_wait3A_163 = arith.constant 0 : i32
    %dma_wait3A_164 = tpu.memref_slice %arg7[%dma_wait3A_158, %dma_wait3A_162, %dma_wait3A_163] : memref<3x1024x832xf32, #tpu.memory_space<vmem>> -> memref<1x1024x832xf32, #tpu.memory_space<vmem>>
    %dma_wait3A_165 = tpu.memref_squeeze %dma_wait3A_164 : memref<1x1024x832xf32, #tpu.memory_space<vmem>> -> memref<1024x832xf32, #tpu.memory_space<vmem>>
    %dma_wait3A_166 = arith.constant 0 : i32
    %dma_wait3A_167 = arith.constant 0 : i32
    %dma_wait3A_168 = tpu.memref_slice %arg4[%dma_wait3A_157, %dma_wait3A_166, %dma_wait3A_167] : memref<8x1024x832xf32, #tpu.memory_space<any>> -> memref<1x1024x832xf32, #tpu.memory_space<any>>
    %dma_wait3A_169 = tpu.memref_squeeze %dma_wait3A_168 : memref<1x1024x832xf32, #tpu.memory_space<any>> -> memref<1024x832xf32, #tpu.memory_space<any>>
    tpu.wait_dma2 semaphore(%dma_wait3A_161 : memref<!tpu.dma_semaphore, #tpu.memory_space<semaphore_mem>>) src(%dma_wait3A_169 : memref<1024x832xf32, #tpu.memory_space<any>>) dst(%dma_wait3A_165 : memref<1024x832xf32, #tpu.memory_space<vmem>>)
    %dma_wait3A_170 = arith.constant 1 : i32
    %dma_wait3A_171 = arith.constant 1 : i32
    %dma_wait3A_172 = arith.constant 1 : i32
    %dma_wait3A_173 = tpu.memref_slice %arg10[%dma_wait3A_172] : memref<3x!tpu.dma_semaphore, #tpu.memory_space<semaphore_mem>> -> memref<1x!tpu.dma_semaphore, #tpu.memory_space<semaphore_mem>>
    %dma_wait3A_174 = tpu.memref_squeeze %dma_wait3A_173 : memref<1x!tpu.dma_semaphore, #tpu.memory_space<semaphore_mem>> -> memref<!tpu.dma_semaphore, #tpu.memory_space<semaphore_mem>>
    %dma_wait3A_175 = arith.constant 0 : i32
    %dma_wait3A_176 = arith.constant 0 : i32
    %dma_wait3A_177 = tpu.memref_slice %arg8[%dma_wait3A_171, %dma_wait3A_175, %dma_wait3A_176] : memref<3x768x1024xf32, #tpu.memory_space<vmem>> -> memref<1x768x1024xf32, #tpu.memory_space<vmem>>
    %dma_wait3A_178 = tpu.memref_squeeze %dma_wait3A_177 : memref<1x768x1024xf32, #tpu.memory_space<vmem>> -> memref<768x1024xf32, #tpu.memory_space<vmem>>
    %dma_wait3A_179 = arith.constant 0 : i32
    %dma_wait3A_180 = arith.constant 0 : i32
    %dma_wait3A_181 = tpu.memref_slice %arg5[%dma_wait3A_170, %dma_wait3A_179, %dma_wait3A_180] : memref<8x768x1024xf32, #tpu.memory_space<any>> -> memref<1x768x1024xf32, #tpu.memory_space<any>>
    %dma_wait3A_182 = tpu.memref_squeeze %dma_wait3A_181 : memref<1x768x1024xf32, #tpu.memory_space<any>> -> memref<768x1024xf32, #tpu.memory_space<any>>
    tpu.wait_dma2 semaphore(%dma_wait3A_174 : memref<!tpu.dma_semaphore, #tpu.memory_space<semaphore_mem>>) src(%dma_wait3A_182 : memref<768x1024xf32, #tpu.memory_space<any>>) dst(%dma_wait3A_178 : memref<768x1024xf32, #tpu.memory_space<vmem>>)
    %get3A_183 = arith.constant 1 : index
    %get3A_184 = memref.load %arg1[%get3A_183] : memref<16xi32, #tpu.memory_space<smem>>
    %get3A_185 = arith.constant 9 : index
    %get3A_186 = memref.load %arg1[%get3A_185] : memref<16xi32, #tpu.memory_space<smem>>
    %get3A_187 = arith.constant 1 : index
    %get3A_188 = arith.constant 0 : index
    %get3A_189 = arith.constant 0 : index
    %get3A_190 = vector.load %arg7[%get3A_187, %get3A_188, %get3A_189] : memref<3x1024x832xf32, #tpu.memory_space<vmem>>, vector<1x1024x768xf32>
    %get3A_191 = vector.shape_cast %get3A_190 : vector<1x1024x768xf32> to vector<1024x768xf32>
    %convert_element_type3A_192 = arith.truncf %get3A_191 : vector<1024x768xf32> to vector<1024x768xbf16>
    %get3A_193 = arith.constant 1 : index
    %get3A_194 = arith.constant 0 : index
    %get3A_195 = arith.constant 768 : index
    %get3A_196 = vector.load %arg7[%get3A_193, %get3A_194, %get3A_195] : memref<3x1024x832xf32, #tpu.memory_space<vmem>>, vector<1x1024x64xf32>
    %get3A_197 = vector.shape_cast %get3A_196 : vector<1x1024x64xf32> to vector<1024x64xf32>
    %convert_element_type3A_198 = arith.truncf %get3A_197 : vector<1024x64xf32> to vector<1024x64xbf16>
    %get3A_199 = arith.constant 1 : index
    %get3A_200 = arith.constant 0 : index
    %get3A_201 = arith.constant 0 : index
    %get3A_202 = vector.load %arg8[%get3A_199, %get3A_200, %get3A_201] : memref<3x768x1024xf32, #tpu.memory_space<vmem>>, vector<1x768x1024xf32>
    %get3A_203 = vector.shape_cast %get3A_202 : vector<1x768x1024xf32> to vector<768x1024xf32>
    %convert_element_type3A_204 = arith.truncf %get3A_203 : vector<768x1024xf32> to vector<768x1024xbf16>
    %while3A_205 = arith.constant 0 : i32
    %while3A_206 = arith.constant 0 : i32
    %while3A_207 = arith.subi %get3A_186, %while3A_206 : i32
    %while3A_208 = arith.addi %while3A_206, %while3A_207 : i32
    %while3A_209 = arith.constant 1 : i32
    %while3A_210 = arith.divsi %while3A_207, %while3A_209 : i32
    %while3A_211 = arith.muli %while3A_210, %while3A_209 : i32
    %while3A_212 = arith.addi %while3A_206, %while3A_211 : i32
    %while3A_213 = arith.constant 1 : i32
    scf.for %while3A_667 = %while3A_206 to %while3A_212 step %while3A_213  : i32 {
      %mul3A = arith.constant 256 : i32
      %mul3A_668 = arith.muli %while3A_667, %mul3A : i32
      %add3A = arith.addi %get3A_184, %mul3A_668 : i32
      %multiple_of3A = tpu.assume_multiple %add3A, 8 : i32
      %get3A_669 = arith.index_cast %multiple_of3A : i32 to index
      %get3A_670 = arith.constant 0 : index
      %get3A_671 = vector.load %arg2[%get3A_669, %get3A_670] : memref<2360x768xf32, #tpu.memory_space<vmem>>, vector<256x768xf32>
      %convert_element_type3A_672 = arith.truncf %get3A_671 : vector<256x768xf32> to vector<256x768xbf16>
      %get3A_673 = arith.index_cast %multiple_of3A : i32 to index
      %get3A_674 = arith.constant 0 : index
      %get3A_675 = vector.load %arg3[%get3A_673, %get3A_674] : memref<2360x128xf32, #tpu.memory_space<vmem>>, vector<256x64xf32>
      %convert_element_type3A_676 = arith.truncf %get3A_675 : vector<256x64xf32> to vector<256x64xbf16>
      %dot_general3A = arith.constant dense<0.000000e+00> : vector<256x1024xf32>
      %dot_general3A_677 = tpu.matmul %convert_element_type3A_672, %convert_element_type3A_192, %dot_general3A {dimension_numbers = #tpu.dot_dimension_numbers<[1], [1], [0], [0], [0, 0, 1, 0], [], []>, transpose_lhs_hint = false} : vector<256x768xbf16>, vector<1024x768xbf16>, vector<256x1024xf32> -> vector<256x1024xf32>
      %dot_general3A_678 = arith.constant dense<0.000000e+00> : vector<256x1024xf32>
      %dot_general3A_679 = tpu.matmul %convert_element_type3A_676, %convert_element_type3A_198, %dot_general3A_678 {dimension_numbers = #tpu.dot_dimension_numbers<[1], [1], [0], [0], [0, 0, 1, 0], [], []>, transpose_lhs_hint = false} : vector<256x64xbf16>, vector<1024x64xbf16>, vector<256x1024xf32> -> vector<256x1024xf32>
      %add3A_680 = arith.addf %dot_general3A_677, %dot_general3A_679 : vector<256x1024xf32>
      %max3A = arith.constant 0.000000e+00 : f32
      %max3A_681 = vector.broadcast %max3A : f32 to vector<256x1024xf32>
      %max3A_682 = arith.maximumf %add3A_680, %max3A_681 : vector<256x1024xf32>
      %convert_element_type3A_683 = arith.truncf %max3A_682 : vector<256x1024xf32> to vector<256x1024xbf16>
      %dot_general3A_684 = arith.constant dense<0.000000e+00> : vector<256x768xf32>
      %dot_general3A_685 = tpu.matmul %convert_element_type3A_683, %convert_element_type3A_204, %dot_general3A_684 {dimension_numbers = #tpu.dot_dimension_numbers<[1], [1], [0], [0], [0, 0, 1, 0], [], []>, transpose_lhs_hint = false} : vector<256x1024xbf16>, vector<768x1024xbf16>, vector<256x768xf32> -> vector<256x768xf32>
      %swap3A = arith.index_cast %multiple_of3A : i32 to index
      %swap3A_686 = arith.constant 0 : index
      %swap3A_687 = vector.load %arg6[%swap3A, %swap3A_686] : memref<2360x768xf32, #tpu.memory_space<vmem>>, vector<256x768xf32>
      tpu.vector_store %arg6[%swap3A, %swap3A_686], %dot_general3A_685 {strides = array<i32>} : memref<2360x768xf32, #tpu.memory_space<vmem>>, vector<256x768xf32>,
    }
    %while3A_214 = arith.constant 1 : i32
    scf.for %while3A_667 = %while3A_212 to %while3A_208 step %while3A_214  : i32 {
      %mul3A = arith.constant 256 : i32
      %mul3A_668 = arith.muli %while3A_667, %mul3A : i32
      %add3A = arith.addi %get3A_184, %mul3A_668 : i32
      %multiple_of3A = tpu.assume_multiple %add3A, 8 : i32
      %get3A_669 = arith.index_cast %multiple_of3A : i32 to index
      %get3A_670 = arith.constant 0 : index
      %get3A_671 = vector.load %arg2[%get3A_669, %get3A_670] : memref<2360x768xf32, #tpu.memory_space<vmem>>, vector<256x768xf32>
      %convert_element_type3A_672 = arith.truncf %get3A_671 : vector<256x768xf32> to vector<256x768xbf16>
      %get3A_673 = arith.index_cast %multiple_of3A : i32 to index
      %get3A_674 = arith.constant 0 : index
      %get3A_675 = vector.load %arg3[%get3A_673, %get3A_674] : memref<2360x128xf32, #tpu.memory_space<vmem>>, vector<256x64xf32>
      %convert_element_type3A_676 = arith.truncf %get3A_675 : vector<256x64xf32> to vector<256x64xbf16>
      %dot_general3A = arith.constant dense<0.000000e+00> : vector<256x1024xf32>
      %dot_general3A_677 = tpu.matmul %convert_element_type3A_672, %convert_element_type3A_192, %dot_general3A {dimension_numbers = #tpu.dot_dimension_numbers<[1], [1], [0], [0], [0, 0, 1, 0], [], []>, transpose_lhs_hint = false} : vector<256x768xbf16>, vector<1024x768xbf16>, vector<256x1024xf32> -> vector<256x1024xf32>
      %dot_general3A_678 = arith.constant dense<0.000000e+00> : vector<256x1024xf32>
      %dot_general3A_679 = tpu.matmul %convert_element_type3A_676, %convert_element_type3A_198, %dot_general3A_678 {dimension_numbers = #tpu.dot_dimension_numbers<[1], [1], [0], [0], [0, 0, 1, 0], [], []>, transpose_lhs_hint = false} : vector<256x64xbf16>, vector<1024x64xbf16>, vector<256x1024xf32> -> vector<256x1024xf32>
      %add3A_680 = arith.addf %dot_general3A_677, %dot_general3A_679 : vector<256x1024xf32>
      %max3A = arith.constant 0.000000e+00 : f32
      %max3A_681 = vector.broadcast %max3A : f32 to vector<256x1024xf32>
      %max3A_682 = arith.maximumf %add3A_680, %max3A_681 : vector<256x1024xf32>
      %convert_element_type3A_683 = arith.truncf %max3A_682 : vector<256x1024xf32> to vector<256x1024xbf16>
      %dot_general3A_684 = arith.constant dense<0.000000e+00> : vector<256x768xf32>
      %dot_general3A_685 = tpu.matmul %convert_element_type3A_683, %convert_element_type3A_204, %dot_general3A_684 {dimension_numbers = #tpu.dot_dimension_numbers<[1], [1], [0], [0], [0, 0, 1, 0], [], []>, transpose_lhs_hint = false} : vector<256x1024xbf16>, vector<768x1024xbf16>, vector<256x768xf32> -> vector<256x768xf32>
      %swap3A = arith.index_cast %multiple_of3A : i32 to index
      %swap3A_686 = arith.constant 0 : index
      %swap3A_687 = vector.load %arg6[%swap3A, %swap3A_686] : memref<2360x768xf32, #tpu.memory_space<vmem>>, vector<256x768xf32>
      tpu.vector_store %arg6[%swap3A, %swap3A_686], %dot_general3A_685 {strides = array<i32>} : memref<2360x768xf32, #tpu.memory_space<vmem>>, vector<256x768xf32>,
    }
    %dma_start3A_215 = arith.constant 4 : i32
    %dma_start3A_216 = arith.constant 1 : i32
    %dma_start3A_217 = arith.constant 1 : i32
    %dma_start3A_218 = tpu.memref_slice %arg9[%dma_start3A_217] : memref<3x!tpu.dma_semaphore, #tpu.memory_space<semaphore_mem>> -> memref<1x!tpu.dma_semaphore, #tpu.memory_space<semaphore_mem>>
    %dma_start3A_219 = tpu.memref_squeeze %dma_start3A_218 : memref<1x!tpu.dma_semaphore, #tpu.memory_space<semaphore_mem>> -> memref<!tpu.dma_semaphore, #tpu.memory_space<semaphore_mem>>
    %dma_start3A_220 = arith.constant 0 : i32
    %dma_start3A_221 = arith.constant 0 : i32
    %dma_start3A_222 = tpu.memref_slice %arg7[%dma_start3A_216, %dma_start3A_220, %dma_start3A_221] : memref<3x1024x832xf32, #tpu.memory_space<vmem>> -> memref<1x1024x832xf32, #tpu.memory_space<vmem>>
    %dma_start3A_223 = tpu.memref_squeeze %dma_start3A_222 : memref<1x1024x832xf32, #tpu.memory_space<vmem>> -> memref<1024x832xf32, #tpu.memory_space<vmem>>
    %dma_start3A_224 = arith.constant 0 : i32
    %dma_start3A_225 = arith.constant 0 : i32
    %dma_start3A_226 = tpu.memref_slice %arg4[%dma_start3A_215, %dma_start3A_224, %dma_start3A_225] : memref<8x1024x832xf32, #tpu.memory_space<any>> -> memref<1x1024x832xf32, #tpu.memory_space<any>>
    %dma_start3A_227 = tpu.memref_squeeze %dma_start3A_226 : memref<1x1024x832xf32, #tpu.memory_space<any>> -> memref<1024x832xf32, #tpu.memory_space<any>>
    tpu.enqueue_dma source(%dma_start3A_227 : memref<1024x832xf32, #tpu.memory_space<any>>) target(%dma_start3A_223 : memref<1024x832xf32, #tpu.memory_space<vmem>>) target_semaphore(%dma_start3A_219 : memref<!tpu.dma_semaphore, #tpu.memory_space<semaphore_mem>>)
    %dma_start3A_228 = arith.constant 4 : i32
    %dma_start3A_229 = arith.constant 1 : i32
    %dma_start3A_230 = arith.constant 1 : i32
    %dma_start3A_231 = tpu.memref_slice %arg10[%dma_start3A_230] : memref<3x!tpu.dma_semaphore, #tpu.memory_space<semaphore_mem>> -> memref<1x!tpu.dma_semaphore, #tpu.memory_space<semaphore_mem>>
    %dma_start3A_232 = tpu.memref_squeeze %dma_start3A_231 : memref<1x!tpu.dma_semaphore, #tpu.memory_space<semaphore_mem>> -> memref<!tpu.dma_semaphore, #tpu.memory_space<semaphore_mem>>
    %dma_start3A_233 = arith.constant 0 : i32
    %dma_start3A_234 = arith.constant 0 : i32
    %dma_start3A_235 = tpu.memref_slice %arg8[%dma_start3A_229, %dma_start3A_233, %dma_start3A_234] : memref<3x768x1024xf32, #tpu.memory_space<vmem>> -> memref<1x768x1024xf32, #tpu.memory_space<vmem>>
    %dma_start3A_236 = tpu.memref_squeeze %dma_start3A_235 : memref<1x768x1024xf32, #tpu.memory_space<vmem>> -> memref<768x1024xf32, #tpu.memory_space<vmem>>
    %dma_start3A_237 = arith.constant 0 : i32
    %dma_start3A_238 = arith.constant 0 : i32
    %dma_start3A_239 = tpu.memref_slice %arg5[%dma_start3A_228, %dma_start3A_237, %dma_start3A_238] : memref<8x768x1024xf32, #tpu.memory_space<any>> -> memref<1x768x1024xf32, #tpu.memory_space<any>>
    %dma_start3A_240 = tpu.memref_squeeze %dma_start3A_239 : memref<1x768x1024xf32, #tpu.memory_space<any>> -> memref<768x1024xf32, #tpu.memory_space<any>>
    tpu.enqueue_dma source(%dma_start3A_240 : memref<768x1024xf32, #tpu.memory_space<any>>) target(%dma_start3A_236 : memref<768x1024xf32, #tpu.memory_space<vmem>>) target_semaphore(%dma_start3A_232 : memref<!tpu.dma_semaphore, #tpu.memory_space<semaphore_mem>>)
    %dma_wait3A_241 = arith.constant 2 : i32
    %dma_wait3A_242 = arith.constant 2 : i32
    %dma_wait3A_243 = arith.constant 2 : i32
    %dma_wait3A_244 = tpu.memref_slice %arg9[%dma_wait3A_243] : memref<3x!tpu.dma_semaphore, #tpu.memory_space<semaphore_mem>> -> memref<1x!tpu.dma_semaphore, #tpu.memory_space<semaphore_mem>>
    %dma_wait3A_245 = tpu.memref_squeeze %dma_wait3A_244 : memref<1x!tpu.dma_semaphore, #tpu.memory_space<semaphore_mem>> -> memref<!tpu.dma_semaphore, #tpu.memory_space<semaphore_mem>>
    %dma_wait3A_246 = arith.constant 0 : i32
    %dma_wait3A_247 = arith.constant 0 : i32
    %dma_wait3A_248 = tpu.memref_slice %arg7[%dma_wait3A_242, %dma_wait3A_246, %dma_wait3A_247] : memref<3x1024x832xf32, #tpu.memory_space<vmem>> -> memref<1x1024x832xf32, #tpu.memory_space<vmem>>
    %dma_wait3A_249 = tpu.memref_squeeze %dma_wait3A_248 : memref<1x1024x832xf32, #tpu.memory_space<vmem>> -> memref<1024x832xf32, #tpu.memory_space<vmem>>
    %dma_wait3A_250 = arith.constant 0 : i32
    %dma_wait3A_251 = arith.constant 0 : i32
    %dma_wait3A_252 = tpu.memref_slice %arg4[%dma_wait3A_241, %dma_wait3A_250, %dma_wait3A_251] : memref<8x1024x832xf32, #tpu.memory_space<any>> -> memref<1x1024x832xf32, #tpu.memory_space<any>>
    %dma_wait3A_253 = tpu.memref_squeeze %dma_wait3A_252 : memref<1x1024x832xf32, #tpu.memory_space<any>> -> memref<1024x832xf32, #tpu.memory_space<any>>
    tpu.wait_dma2 semaphore(%dma_wait3A_245 : memref<!tpu.dma_semaphore, #tpu.memory_space<semaphore_mem>>) src(%dma_wait3A_253 : memref<1024x832xf32, #tpu.memory_space<any>>) dst(%dma_wait3A_249 : memref<1024x832xf32, #tpu.memory_space<vmem>>)
    %dma_wait3A_254 = arith.constant 2 : i32
    %dma_wait3A_255 = arith.constant 2 : i32
    %dma_wait3A_256 = arith.constant 2 : i32
    %dma_wait3A_257 = tpu.memref_slice %arg10[%dma_wait3A_256] : memref<3x!tpu.dma_semaphore, #tpu.memory_space<semaphore_mem>> -> memref<1x!tpu.dma_semaphore, #tpu.memory_space<semaphore_mem>>
    %dma_wait3A_258 = tpu.memref_squeeze %dma_wait3A_257 : memref<1x!tpu.dma_semaphore, #tpu.memory_space<semaphore_mem>> -> memref<!tpu.dma_semaphore, #tpu.memory_space<semaphore_mem>>
    %dma_wait3A_259 = arith.constant 0 : i32
    %dma_wait3A_260 = arith.constant 0 : i32
    %dma_wait3A_261 = tpu.memref_slice %arg8[%dma_wait3A_255, %dma_wait3A_259, %dma_wait3A_260] : memref<3x768x1024xf32, #tpu.memory_space<vmem>> -> memref<1x768x1024xf32, #tpu.memory_space<vmem>>
    %dma_wait3A_262 = tpu.memref_squeeze %dma_wait3A_261 : memref<1x768x1024xf32, #tpu.memory_space<vmem>> -> memref<768x1024xf32, #tpu.memory_space<vmem>>
    %dma_wait3A_263 = arith.constant 0 : i32
    %dma_wait3A_264 = arith.constant 0 : i32
    %dma_wait3A_265 = tpu.memref_slice %arg5[%dma_wait3A_254, %dma_wait3A_263, %dma_wait3A_264] : memref<8x768x1024xf32, #tpu.memory_space<any>> -> memref<1x768x1024xf32, #tpu.memory_space<any>>
    %dma_wait3A_266 = tpu.memref_squeeze %dma_wait3A_265 : memref<1x768x1024xf32, #tpu.memory_space<any>> -> memref<768x1024xf32, #tpu.memory_space<any>>
    tpu.wait_dma2 semaphore(%dma_wait3A_258 : memref<!tpu.dma_semaphore, #tpu.memory_space<semaphore_mem>>) src(%dma_wait3A_266 : memref<768x1024xf32, #tpu.memory_space<any>>) dst(%dma_wait3A_262 : memref<768x1024xf32, #tpu.memory_space<vmem>>)
    %get3A_267 = arith.constant 2 : index
    %get3A_268 = memref.load %arg1[%get3A_267] : memref<16xi32, #tpu.memory_space<smem>>
    %get3A_269 = arith.constant 10 : index
    %get3A_270 = memref.load %arg1[%get3A_269] : memref<16xi32, #tpu.memory_space<smem>>
    %get3A_271 = arith.constant 2 : index
    %get3A_272 = arith.constant 0 : index
    %get3A_273 = arith.constant 0 : index
    %get3A_274 = vector.load %arg7[%get3A_271, %get3A_272, %get3A_273] : memref<3x1024x832xf32, #tpu.memory_space<vmem>>, vector<1x1024x768xf32>
    %get3A_275 = vector.shape_cast %get3A_274 : vector<1x1024x768xf32> to vector<1024x768xf32>
    %convert_element_type3A_276 = arith.truncf %get3A_275 : vector<1024x768xf32> to vector<1024x768xbf16>
    %get3A_277 = arith.constant 2 : index
    %get3A_278 = arith.constant 0 : index
    %get3A_279 = arith.constant 768 : index
    %get3A_280 = vector.load %arg7[%get3A_277, %get3A_278, %get3A_279] : memref<3x1024x832xf32, #tpu.memory_space<vmem>>, vector<1x1024x64xf32>
    %get3A_281 = vector.shape_cast %get3A_280 : vector<1x1024x64xf32> to vector<1024x64xf32>
    %convert_element_type3A_282 = arith.truncf %get3A_281 : vector<1024x64xf32> to vector<1024x64xbf16>
    %get3A_283 = arith.constant 2 : index
    %get3A_284 = arith.constant 0 : index
    %get3A_285 = arith.constant 0 : index
    %get3A_286 = vector.load %arg8[%get3A_283, %get3A_284, %get3A_285] : memref<3x768x1024xf32, #tpu.memory_space<vmem>>, vector<1x768x1024xf32>
    %get3A_287 = vector.shape_cast %get3A_286 : vector<1x768x1024xf32> to vector<768x1024xf32>
    %convert_element_type3A_288 = arith.truncf %get3A_287 : vector<768x1024xf32> to vector<768x1024xbf16>
    %while3A_289 = arith.constant 0 : i32
    %while3A_290 = arith.constant 0 : i32
    %while3A_291 = arith.subi %get3A_270, %while3A_290 : i32
    %while3A_292 = arith.addi %while3A_290, %while3A_291 : i32
    %while3A_293 = arith.constant 1 : i32
    %while3A_294 = arith.divsi %while3A_291, %while3A_293 : i32
    %while3A_295 = arith.muli %while3A_294, %while3A_293 : i32
    %while3A_296 = arith.addi %while3A_290, %while3A_295 : i32
    %while3A_297 = arith.constant 1 : i32
    scf.for %while3A_667 = %while3A_290 to %while3A_296 step %while3A_297  : i32 {
      %mul3A = arith.constant 256 : i32
      %mul3A_668 = arith.muli %while3A_667, %mul3A : i32
      %add3A = arith.addi %get3A_268, %mul3A_668 : i32
      %multiple_of3A = tpu.assume_multiple %add3A, 8 : i32
      %get3A_669 = arith.index_cast %multiple_of3A : i32 to index
      %get3A_670 = arith.constant 0 : index
      %get3A_671 = vector.load %arg2[%get3A_669, %get3A_670] : memref<2360x768xf32, #tpu.memory_space<vmem>>, vector<256x768xf32>
      %convert_element_type3A_672 = arith.truncf %get3A_671 : vector<256x768xf32> to vector<256x768xbf16>
      %get3A_673 = arith.index_cast %multiple_of3A : i32 to index
      %get3A_674 = arith.constant 0 : index
      %get3A_675 = vector.load %arg3[%get3A_673, %get3A_674] : memref<2360x128xf32, #tpu.memory_space<vmem>>, vector<256x64xf32>
      %convert_element_type3A_676 = arith.truncf %get3A_675 : vector<256x64xf32> to vector<256x64xbf16>
      %dot_general3A = arith.constant dense<0.000000e+00> : vector<256x1024xf32>
      %dot_general3A_677 = tpu.matmul %convert_element_type3A_672, %convert_element_type3A_276, %dot_general3A {dimension_numbers = #tpu.dot_dimension_numbers<[1], [1], [0], [0], [0, 0, 1, 0], [], []>, transpose_lhs_hint = false} : vector<256x768xbf16>, vector<1024x768xbf16>, vector<256x1024xf32> -> vector<256x1024xf32>
      %dot_general3A_678 = arith.constant dense<0.000000e+00> : vector<256x1024xf32>
      %dot_general3A_679 = tpu.matmul %convert_element_type3A_676, %convert_element_type3A_282, %dot_general3A_678 {dimension_numbers = #tpu.dot_dimension_numbers<[1], [1], [0], [0], [0, 0, 1, 0], [], []>, transpose_lhs_hint = false} : vector<256x64xbf16>, vector<1024x64xbf16>, vector<256x1024xf32> -> vector<256x1024xf32>
      %add3A_680 = arith.addf %dot_general3A_677, %dot_general3A_679 : vector<256x1024xf32>
      %max3A = arith.constant 0.000000e+00 : f32
      %max3A_681 = vector.broadcast %max3A : f32 to vector<256x1024xf32>
      %max3A_682 = arith.maximumf %add3A_680, %max3A_681 : vector<256x1024xf32>
      %convert_element_type3A_683 = arith.truncf %max3A_682 : vector<256x1024xf32> to vector<256x1024xbf16>
      %dot_general3A_684 = arith.constant dense<0.000000e+00> : vector<256x768xf32>
      %dot_general3A_685 = tpu.matmul %convert_element_type3A_683, %convert_element_type3A_288, %dot_general3A_684 {dimension_numbers = #tpu.dot_dimension_numbers<[1], [1], [0], [0], [0, 0, 1, 0], [], []>, transpose_lhs_hint = false} : vector<256x1024xbf16>, vector<768x1024xbf16>, vector<256x768xf32> -> vector<256x768xf32>
      %swap3A = arith.index_cast %multiple_of3A : i32 to index
      %swap3A_686 = arith.constant 0 : index
      %swap3A_687 = vector.load %arg6[%swap3A, %swap3A_686] : memref<2360x768xf32, #tpu.memory_space<vmem>>, vector<256x768xf32>
      tpu.vector_store %arg6[%swap3A, %swap3A_686], %dot_general3A_685 {strides = array<i32>} : memref<2360x768xf32, #tpu.memory_space<vmem>>, vector<256x768xf32>,
    }
    %while3A_298 = arith.constant 1 : i32
    scf.for %while3A_667 = %while3A_296 to %while3A_292 step %while3A_298  : i32 {
      %mul3A = arith.constant 256 : i32
      %mul3A_668 = arith.muli %while3A_667, %mul3A : i32
      %add3A = arith.addi %get3A_268, %mul3A_668 : i32
      %multiple_of3A = tpu.assume_multiple %add3A, 8 : i32
      %get3A_669 = arith.index_cast %multiple_of3A : i32 to index
      %get3A_670 = arith.constant 0 : index
      %get3A_671 = vector.load %arg2[%get3A_669, %get3A_670] : memref<2360x768xf32, #tpu.memory_space<vmem>>, vector<256x768xf32>
      %convert_element_type3A_672 = arith.truncf %get3A_671 : vector<256x768xf32> to vector<256x768xbf16>
      %get3A_673 = arith.index_cast %multiple_of3A : i32 to index
      %get3A_674 = arith.constant 0 : index
      %get3A_675 = vector.load %arg3[%get3A_673, %get3A_674] : memref<2360x128xf32, #tpu.memory_space<vmem>>, vector<256x64xf32>
      %convert_element_type3A_676 = arith.truncf %get3A_675 : vector<256x64xf32> to vector<256x64xbf16>
      %dot_general3A = arith.constant dense<0.000000e+00> : vector<256x1024xf32>
      %dot_general3A_677 = tpu.matmul %convert_element_type3A_672, %convert_element_type3A_276, %dot_general3A {dimension_numbers = #tpu.dot_dimension_numbers<[1], [1], [0], [0], [0, 0, 1, 0], [], []>, transpose_lhs_hint = false} : vector<256x768xbf16>, vector<1024x768xbf16>, vector<256x1024xf32> -> vector<256x1024xf32>
      %dot_general3A_678 = arith.constant dense<0.000000e+00> : vector<256x1024xf32>
      %dot_general3A_679 = tpu.matmul %convert_element_type3A_676, %convert_element_type3A_282, %dot_general3A_678 {dimension_numbers = #tpu.dot_dimension_numbers<[1], [1], [0], [0], [0, 0, 1, 0], [], []>, transpose_lhs_hint = false} : vector<256x64xbf16>, vector<1024x64xbf16>, vector<256x1024xf32> -> vector<256x1024xf32>
      %add3A_680 = arith.addf %dot_general3A_677, %dot_general3A_679 : vector<256x1024xf32>
      %max3A = arith.constant 0.000000e+00 : f32
      %max3A_681 = vector.broadcast %max3A : f32 to vector<256x1024xf32>
      %max3A_682 = arith.maximumf %add3A_680, %max3A_681 : vector<256x1024xf32>
      %convert_element_type3A_683 = arith.truncf %max3A_682 : vector<256x1024xf32> to vector<256x1024xbf16>
      %dot_general3A_684 = arith.constant dense<0.000000e+00> : vector<256x768xf32>
      %dot_general3A_685 = tpu.matmul %convert_element_type3A_683, %convert_element_type3A_288, %dot_general3A_684 {dimension_numbers = #tpu.dot_dimension_numbers<[1], [1], [0], [0], [0, 0, 1, 0], [], []>, transpose_lhs_hint = false} : vector<256x1024xbf16>, vector<768x1024xbf16>, vector<256x768xf32> -> vector<256x768xf32>
      %swap3A = arith.index_cast %multiple_of3A : i32 to index
      %swap3A_686 = arith.constant 0 : index
      %swap3A_687 = vector.load %arg6[%swap3A, %swap3A_686] : memref<2360x768xf32, #tpu.memory_space<vmem>>, vector<256x768xf32>
      tpu.vector_store %arg6[%swap3A, %swap3A_686], %dot_general3A_685 {strides = array<i32>} : memref<2360x768xf32, #tpu.memory_space<vmem>>, vector<256x768xf32>,
    }
    %dma_start3A_299 = arith.constant 5 : i32
    %dma_start3A_300 = arith.constant 2 : i32
    %dma_start3A_301 = arith.constant 2 : i32
    %dma_start3A_302 = tpu.memref_slice %arg9[%dma_start3A_301] : memref<3x!tpu.dma_semaphore, #tpu.memory_space<semaphore_mem>> -> memref<1x!tpu.dma_semaphore, #tpu.memory_space<semaphore_mem>>
    %dma_start3A_303 = tpu.memref_squeeze %dma_start3A_302 : memref<1x!tpu.dma_semaphore, #tpu.memory_space<semaphore_mem>> -> memref<!tpu.dma_semaphore, #tpu.memory_space<semaphore_mem>>
    %dma_start3A_304 = arith.constant 0 : i32
    %dma_start3A_305 = arith.constant 0 : i32
    %dma_start3A_306 = tpu.memref_slice %arg7[%dma_start3A_300, %dma_start3A_304, %dma_start3A_305] : memref<3x1024x832xf32, #tpu.memory_space<vmem>> -> memref<1x1024x832xf32, #tpu.memory_space<vmem>>
    %dma_start3A_307 = tpu.memref_squeeze %dma_start3A_306 : memref<1x1024x832xf32, #tpu.memory_space<vmem>> -> memref<1024x832xf32, #tpu.memory_space<vmem>>
    %dma_start3A_308 = arith.constant 0 : i32
    %dma_start3A_309 = arith.constant 0 : i32
    %dma_start3A_310 = tpu.memref_slice %arg4[%dma_start3A_299, %dma_start3A_308, %dma_start3A_309] : memref<8x1024x832xf32, #tpu.memory_space<any>> -> memref<1x1024x832xf32, #tpu.memory_space<any>>
    %dma_start3A_311 = tpu.memref_squeeze %dma_start3A_310 : memref<1x1024x832xf32, #tpu.memory_space<any>> -> memref<1024x832xf32, #tpu.memory_space<any>>
    tpu.enqueue_dma source(%dma_start3A_311 : memref<1024x832xf32, #tpu.memory_space<any>>) target(%dma_start3A_307 : memref<1024x832xf32, #tpu.memory_space<vmem>>) target_semaphore(%dma_start3A_303 : memref<!tpu.dma_semaphore, #tpu.memory_space<semaphore_mem>>)
    %dma_start3A_312 = arith.constant 5 : i32
    %dma_start3A_313 = arith.constant 2 : i32
    %dma_start3A_314 = arith.constant 2 : i32
    %dma_start3A_315 = tpu.memref_slice %arg10[%dma_start3A_314] : memref<3x!tpu.dma_semaphore, #tpu.memory_space<semaphore_mem>> -> memref<1x!tpu.dma_semaphore, #tpu.memory_space<semaphore_mem>>
    %dma_start3A_316 = tpu.memref_squeeze %dma_start3A_315 : memref<1x!tpu.dma_semaphore, #tpu.memory_space<semaphore_mem>> -> memref<!tpu.dma_semaphore, #tpu.memory_space<semaphore_mem>>
    %dma_start3A_317 = arith.constant 0 : i32
    %dma_start3A_318 = arith.constant 0 : i32
    %dma_start3A_319 = tpu.memref_slice %arg8[%dma_start3A_313, %dma_start3A_317, %dma_start3A_318] : memref<3x768x1024xf32, #tpu.memory_space<vmem>> -> memref<1x768x1024xf32, #tpu.memory_space<vmem>>
    %dma_start3A_320 = tpu.memref_squeeze %dma_start3A_319 : memref<1x768x1024xf32, #tpu.memory_space<vmem>> -> memref<768x1024xf32, #tpu.memory_space<vmem>>
    %dma_start3A_321 = arith.constant 0 : i32
    %dma_start3A_322 = arith.constant 0 : i32
    %dma_start3A_323 = tpu.memref_slice %arg5[%dma_start3A_312, %dma_start3A_321, %dma_start3A_322] : memref<8x768x1024xf32, #tpu.memory_space<any>> -> memref<1x768x1024xf32, #tpu.memory_space<any>>
    %dma_start3A_324 = tpu.memref_squeeze %dma_start3A_323 : memref<1x768x1024xf32, #tpu.memory_space<any>> -> memref<768x1024xf32, #tpu.memory_space<any>>
    tpu.enqueue_dma source(%dma_start3A_324 : memref<768x1024xf32, #tpu.memory_space<any>>) target(%dma_start3A_320 : memref<768x1024xf32, #tpu.memory_space<vmem>>) target_semaphore(%dma_start3A_316 : memref<!tpu.dma_semaphore, #tpu.memory_space<semaphore_mem>>)
    %dma_wait3A_325 = arith.constant 3 : i32
    %dma_wait3A_326 = arith.constant 0 : i32
    %dma_wait3A_327 = arith.constant 0 : i32
    %dma_wait3A_328 = tpu.memref_slice %arg9[%dma_wait3A_327] : memref<3x!tpu.dma_semaphore, #tpu.memory_space<semaphore_mem>> -> memref<1x!tpu.dma_semaphore, #tpu.memory_space<semaphore_mem>>
    %dma_wait3A_329 = tpu.memref_squeeze %dma_wait3A_328 : memref<1x!tpu.dma_semaphore, #tpu.memory_space<semaphore_mem>> -> memref<!tpu.dma_semaphore, #tpu.memory_space<semaphore_mem>>
    %dma_wait3A_330 = arith.constant 0 : i32
    %dma_wait3A_331 = arith.constant 0 : i32
    %dma_wait3A_332 = tpu.memref_slice %arg7[%dma_wait3A_326, %dma_wait3A_330, %dma_wait3A_331] : memref<3x1024x832xf32, #tpu.memory_space<vmem>> -> memref<1x1024x832xf32, #tpu.memory_space<vmem>>
    %dma_wait3A_333 = tpu.memref_squeeze %dma_wait3A_332 : memref<1x1024x832xf32, #tpu.memory_space<vmem>> -> memref<1024x832xf32, #tpu.memory_space<vmem>>
    %dma_wait3A_334 = arith.constant 0 : i32
    %dma_wait3A_335 = arith.constant 0 : i32
    %dma_wait3A_336 = tpu.memref_slice %arg4[%dma_wait3A_325, %dma_wait3A_334, %dma_wait3A_335] : memref<8x1024x832xf32, #tpu.memory_space<any>> -> memref<1x1024x832xf32, #tpu.memory_space<any>>
    %dma_wait3A_337 = tpu.memref_squeeze %dma_wait3A_336 : memref<1x1024x832xf32, #tpu.memory_space<any>> -> memref<1024x832xf32, #tpu.memory_space<any>>
    tpu.wait_dma2 semaphore(%dma_wait3A_329 : memref<!tpu.dma_semaphore, #tpu.memory_space<semaphore_mem>>) src(%dma_wait3A_337 : memref<1024x832xf32, #tpu.memory_space<any>>) dst(%dma_wait3A_333 : memref<1024x832xf32, #tpu.memory_space<vmem>>)
    %dma_wait3A_338 = arith.constant 3 : i32
    %dma_wait3A_339 = arith.constant 0 : i32
    %dma_wait3A_340 = arith.constant 0 : i32
    %dma_wait3A_341 = tpu.memref_slice %arg10[%dma_wait3A_340] : memref<3x!tpu.dma_semaphore, #tpu.memory_space<semaphore_mem>> -> memref<1x!tpu.dma_semaphore, #tpu.memory_space<semaphore_mem>>
    %dma_wait3A_342 = tpu.memref_squeeze %dma_wait3A_341 : memref<1x!tpu.dma_semaphore, #tpu.memory_space<semaphore_mem>> -> memref<!tpu.dma_semaphore, #tpu.memory_space<semaphore_mem>>
    %dma_wait3A_343 = arith.constant 0 : i32
    %dma_wait3A_344 = arith.constant 0 : i32
    %dma_wait3A_345 = tpu.memref_slice %arg8[%dma_wait3A_339, %dma_wait3A_343, %dma_wait3A_344] : memref<3x768x1024xf32, #tpu.memory_space<vmem>> -> memref<1x768x1024xf32, #tpu.memory_space<vmem>>
    %dma_wait3A_346 = tpu.memref_squeeze %dma_wait3A_345 : memref<1x768x1024xf32, #tpu.memory_space<vmem>> -> memref<768x1024xf32, #tpu.memory_space<vmem>>
    %dma_wait3A_347 = arith.constant 0 : i32
    %dma_wait3A_348 = arith.constant 0 : i32
    %dma_wait3A_349 = tpu.memref_slice %arg5[%dma_wait3A_338, %dma_wait3A_347, %dma_wait3A_348] : memref<8x768x1024xf32, #tpu.memory_space<any>> -> memref<1x768x1024xf32, #tpu.memory_space<any>>
    %dma_wait3A_350 = tpu.memref_squeeze %dma_wait3A_349 : memref<1x768x1024xf32, #tpu.memory_space<any>> -> memref<768x1024xf32, #tpu.memory_space<any>>
    tpu.wait_dma2 semaphore(%dma_wait3A_342 : memref<!tpu.dma_semaphore, #tpu.memory_space<semaphore_mem>>) src(%dma_wait3A_350 : memref<768x1024xf32, #tpu.memory_space<any>>) dst(%dma_wait3A_346 : memref<768x1024xf32, #tpu.memory_space<vmem>>)
    %get3A_351 = arith.constant 3 : index
    %get3A_352 = memref.load %arg1[%get3A_351] : memref<16xi32, #tpu.memory_space<smem>>
    %get3A_353 = arith.constant 11 : index
    %get3A_354 = memref.load %arg1[%get3A_353] : memref<16xi32, #tpu.memory_space<smem>>
    %get3A_355 = arith.constant 0 : index
    %get3A_356 = arith.constant 0 : index
    %get3A_357 = arith.constant 0 : index
    %get3A_358 = vector.load %arg7[%get3A_355, %get3A_356, %get3A_357] : memref<3x1024x832xf32, #tpu.memory_space<vmem>>, vector<1x1024x768xf32>
    %get3A_359 = vector.shape_cast %get3A_358 : vector<1x1024x768xf32> to vector<1024x768xf32>
    %convert_element_type3A_360 = arith.truncf %get3A_359 : vector<1024x768xf32> to vector<1024x768xbf16>
    %get3A_361 = arith.constant 0 : index
    %get3A_362 = arith.constant 0 : index
    %get3A_363 = arith.constant 768 : index
    %get3A_364 = vector.load %arg7[%get3A_361, %get3A_362, %get3A_363] : memref<3x1024x832xf32, #tpu.memory_space<vmem>>, vector<1x1024x64xf32>
    %get3A_365 = vector.shape_cast %get3A_364 : vector<1x1024x64xf32> to vector<1024x64xf32>
    %convert_element_type3A_366 = arith.truncf %get3A_365 : vector<1024x64xf32> to vector<1024x64xbf16>
    %get3A_367 = arith.constant 0 : index
    %get3A_368 = arith.constant 0 : index
    %get3A_369 = arith.constant 0 : index
    %get3A_370 = vector.load %arg8[%get3A_367, %get3A_368, %get3A_369] : memref<3x768x1024xf32, #tpu.memory_space<vmem>>, vector<1x768x1024xf32>
    %get3A_371 = vector.shape_cast %get3A_370 : vector<1x768x1024xf32> to vector<768x1024xf32>
    %convert_element_type3A_372 = arith.truncf %get3A_371 : vector<768x1024xf32> to vector<768x1024xbf16>
    %while3A_373 = arith.constant 0 : i32
    %while3A_374 = arith.constant 0 : i32
    %while3A_375 = arith.subi %get3A_354, %while3A_374 : i32
    %while3A_376 = arith.addi %while3A_374, %while3A_375 : i32
    %while3A_377 = arith.constant 1 : i32
    %while3A_378 = arith.divsi %while3A_375, %while3A_377 : i32
    %while3A_379 = arith.muli %while3A_378, %while3A_377 : i32
    %while3A_380 = arith.addi %while3A_374, %while3A_379 : i32
    %while3A_381 = arith.constant 1 : i32
    scf.for %while3A_667 = %while3A_374 to %while3A_380 step %while3A_381  : i32 {
      %mul3A = arith.constant 256 : i32
      %mul3A_668 = arith.muli %while3A_667, %mul3A : i32
      %add3A = arith.addi %get3A_352, %mul3A_668 : i32
      %multiple_of3A = tpu.assume_multiple %add3A, 8 : i32
      %get3A_669 = arith.index_cast %multiple_of3A : i32 to index
      %get3A_670 = arith.constant 0 : index
      %get3A_671 = vector.load %arg2[%get3A_669, %get3A_670] : memref<2360x768xf32, #tpu.memory_space<vmem>>, vector<256x768xf32>
      %convert_element_type3A_672 = arith.truncf %get3A_671 : vector<256x768xf32> to vector<256x768xbf16>
      %get3A_673 = arith.index_cast %multiple_of3A : i32 to index
      %get3A_674 = arith.constant 0 : index
      %get3A_675 = vector.load %arg3[%get3A_673, %get3A_674] : memref<2360x128xf32, #tpu.memory_space<vmem>>, vector<256x64xf32>
      %convert_element_type3A_676 = arith.truncf %get3A_675 : vector<256x64xf32> to vector<256x64xbf16>
      %dot_general3A = arith.constant dense<0.000000e+00> : vector<256x1024xf32>
      %dot_general3A_677 = tpu.matmul %convert_element_type3A_672, %convert_element_type3A_360, %dot_general3A {dimension_numbers = #tpu.dot_dimension_numbers<[1], [1], [0], [0], [0, 0, 1, 0], [], []>, transpose_lhs_hint = false} : vector<256x768xbf16>, vector<1024x768xbf16>, vector<256x1024xf32> -> vector<256x1024xf32>
      %dot_general3A_678 = arith.constant dense<0.000000e+00> : vector<256x1024xf32>
      %dot_general3A_679 = tpu.matmul %convert_element_type3A_676, %convert_element_type3A_366, %dot_general3A_678 {dimension_numbers = #tpu.dot_dimension_numbers<[1], [1], [0], [0], [0, 0, 1, 0], [], []>, transpose_lhs_hint = false} : vector<256x64xbf16>, vector<1024x64xbf16>, vector<256x1024xf32> -> vector<256x1024xf32>
      %add3A_680 = arith.addf %dot_general3A_677, %dot_general3A_679 : vector<256x1024xf32>
      %max3A = arith.constant 0.000000e+00 : f32
      %max3A_681 = vector.broadcast %max3A : f32 to vector<256x1024xf32>
      %max3A_682 = arith.maximumf %add3A_680, %max3A_681 : vector<256x1024xf32>
      %convert_element_type3A_683 = arith.truncf %max3A_682 : vector<256x1024xf32> to vector<256x1024xbf16>
      %dot_general3A_684 = arith.constant dense<0.000000e+00> : vector<256x768xf32>
      %dot_general3A_685 = tpu.matmul %convert_element_type3A_683, %convert_element_type3A_372, %dot_general3A_684 {dimension_numbers = #tpu.dot_dimension_numbers<[1], [1], [0], [0], [0, 0, 1, 0], [], []>, transpose_lhs_hint = false} : vector<256x1024xbf16>, vector<768x1024xbf16>, vector<256x768xf32> -> vector<256x768xf32>
      %swap3A = arith.index_cast %multiple_of3A : i32 to index
      %swap3A_686 = arith.constant 0 : index
      %swap3A_687 = vector.load %arg6[%swap3A, %swap3A_686] : memref<2360x768xf32, #tpu.memory_space<vmem>>, vector<256x768xf32>
      tpu.vector_store %arg6[%swap3A, %swap3A_686], %dot_general3A_685 {strides = array<i32>} : memref<2360x768xf32, #tpu.memory_space<vmem>>, vector<256x768xf32>,
    }
    %while3A_382 = arith.constant 1 : i32
    scf.for %while3A_667 = %while3A_380 to %while3A_376 step %while3A_382  : i32 {
      %mul3A = arith.constant 256 : i32
      %mul3A_668 = arith.muli %while3A_667, %mul3A : i32
      %add3A = arith.addi %get3A_352, %mul3A_668 : i32
      %multiple_of3A = tpu.assume_multiple %add3A, 8 : i32
      %get3A_669 = arith.index_cast %multiple_of3A : i32 to index
      %get3A_670 = arith.constant 0 : index
      %get3A_671 = vector.load %arg2[%get3A_669, %get3A_670] : memref<2360x768xf32, #tpu.memory_space<vmem>>, vector<256x768xf32>
      %convert_element_type3A_672 = arith.truncf %get3A_671 : vector<256x768xf32> to vector<256x768xbf16>
      %get3A_673 = arith.index_cast %multiple_of3A : i32 to index
      %get3A_674 = arith.constant 0 : index
      %get3A_675 = vector.load %arg3[%get3A_673, %get3A_674] : memref<2360x128xf32, #tpu.memory_space<vmem>>, vector<256x64xf32>
      %convert_element_type3A_676 = arith.truncf %get3A_675 : vector<256x64xf32> to vector<256x64xbf16>
      %dot_general3A = arith.constant dense<0.000000e+00> : vector<256x1024xf32>
      %dot_general3A_677 = tpu.matmul %convert_element_type3A_672, %convert_element_type3A_360, %dot_general3A {dimension_numbers = #tpu.dot_dimension_numbers<[1], [1], [0], [0], [0, 0, 1, 0], [], []>, transpose_lhs_hint = false} : vector<256x768xbf16>, vector<1024x768xbf16>, vector<256x1024xf32> -> vector<256x1024xf32>
      %dot_general3A_678 = arith.constant dense<0.000000e+00> : vector<256x1024xf32>
      %dot_general3A_679 = tpu.matmul %convert_element_type3A_676, %convert_element_type3A_366, %dot_general3A_678 {dimension_numbers = #tpu.dot_dimension_numbers<[1], [1], [0], [0], [0, 0, 1, 0], [], []>, transpose_lhs_hint = false} : vector<256x64xbf16>, vector<1024x64xbf16>, vector<256x1024xf32> -> vector<256x1024xf32>
      %add3A_680 = arith.addf %dot_general3A_677, %dot_general3A_679 : vector<256x1024xf32>
      %max3A = arith.constant 0.000000e+00 : f32
      %max3A_681 = vector.broadcast %max3A : f32 to vector<256x1024xf32>
      %max3A_682 = arith.maximumf %add3A_680, %max3A_681 : vector<256x1024xf32>
      %convert_element_type3A_683 = arith.truncf %max3A_682 : vector<256x1024xf32> to vector<256x1024xbf16>
      %dot_general3A_684 = arith.constant dense<0.000000e+00> : vector<256x768xf32>
      %dot_general3A_685 = tpu.matmul %convert_element_type3A_683, %convert_element_type3A_372, %dot_general3A_684 {dimension_numbers = #tpu.dot_dimension_numbers<[1], [1], [0], [0], [0, 0, 1, 0], [], []>, transpose_lhs_hint = false} : vector<256x1024xbf16>, vector<768x1024xbf16>, vector<256x768xf32> -> vector<256x768xf32>
      %swap3A = arith.index_cast %multiple_of3A : i32 to index
      %swap3A_686 = arith.constant 0 : index
      %swap3A_687 = vector.load %arg6[%swap3A, %swap3A_686] : memref<2360x768xf32, #tpu.memory_space<vmem>>, vector<256x768xf32>
      tpu.vector_store %arg6[%swap3A, %swap3A_686], %dot_general3A_685 {strides = array<i32>} : memref<2360x768xf32, #tpu.memory_space<vmem>>, vector<256x768xf32>,
    }
    %dma_start3A_383 = arith.constant 6 : i32
    %dma_start3A_384 = arith.constant 0 : i32
    %dma_start3A_385 = arith.constant 0 : i32
    %dma_start3A_386 = tpu.memref_slice %arg9[%dma_start3A_385] : memref<3x!tpu.dma_semaphore, #tpu.memory_space<semaphore_mem>> -> memref<1x!tpu.dma_semaphore, #tpu.memory_space<semaphore_mem>>
    %dma_start3A_387 = tpu.memref_squeeze %dma_start3A_386 : memref<1x!tpu.dma_semaphore, #tpu.memory_space<semaphore_mem>> -> memref<!tpu.dma_semaphore, #tpu.memory_space<semaphore_mem>>
    %dma_start3A_388 = arith.constant 0 : i32
    %dma_start3A_389 = arith.constant 0 : i32
    %dma_start3A_390 = tpu.memref_slice %arg7[%dma_start3A_384, %dma_start3A_388, %dma_start3A_389] : memref<3x1024x832xf32, #tpu.memory_space<vmem>> -> memref<1x1024x832xf32, #tpu.memory_space<vmem>>
    %dma_start3A_391 = tpu.memref_squeeze %dma_start3A_390 : memref<1x1024x832xf32, #tpu.memory_space<vmem>> -> memref<1024x832xf32, #tpu.memory_space<vmem>>
    %dma_start3A_392 = arith.constant 0 : i32
    %dma_start3A_393 = arith.constant 0 : i32
    %dma_start3A_394 = tpu.memref_slice %arg4[%dma_start3A_383, %dma_start3A_392, %dma_start3A_393] : memref<8x1024x832xf32, #tpu.memory_space<any>> -> memref<1x1024x832xf32, #tpu.memory_space<any>>
    %dma_start3A_395 = tpu.memref_squeeze %dma_start3A_394 : memref<1x1024x832xf32, #tpu.memory_space<any>> -> memref<1024x832xf32, #tpu.memory_space<any>>
    tpu.enqueue_dma source(%dma_start3A_395 : memref<1024x832xf32, #tpu.memory_space<any>>) target(%dma_start3A_391 : memref<1024x832xf32, #tpu.memory_space<vmem>>) target_semaphore(%dma_start3A_387 : memref<!tpu.dma_semaphore, #tpu.memory_space<semaphore_mem>>)
    %dma_start3A_396 = arith.constant 6 : i32
    %dma_start3A_397 = arith.constant 0 : i32
    %dma_start3A_398 = arith.constant 0 : i32
    %dma_start3A_399 = tpu.memref_slice %arg10[%dma_start3A_398] : memref<3x!tpu.dma_semaphore, #tpu.memory_space<semaphore_mem>> -> memref<1x!tpu.dma_semaphore, #tpu.memory_space<semaphore_mem>>
    %dma_start3A_400 = tpu.memref_squeeze %dma_start3A_399 : memref<1x!tpu.dma_semaphore, #tpu.memory_space<semaphore_mem>> -> memref<!tpu.dma_semaphore, #tpu.memory_space<semaphore_mem>>
    %dma_start3A_401 = arith.constant 0 : i32
    %dma_start3A_402 = arith.constant 0 : i32
    %dma_start3A_403 = tpu.memref_slice %arg8[%dma_start3A_397, %dma_start3A_401, %dma_start3A_402] : memref<3x768x1024xf32, #tpu.memory_space<vmem>> -> memref<1x768x1024xf32, #tpu.memory_space<vmem>>
    %dma_start3A_404 = tpu.memref_squeeze %dma_start3A_403 : memref<1x768x1024xf32, #tpu.memory_space<vmem>> -> memref<768x1024xf32, #tpu.memory_space<vmem>>
    %dma_start3A_405 = arith.constant 0 : i32
    %dma_start3A_406 = arith.constant 0 : i32
    %dma_start3A_407 = tpu.memref_slice %arg5[%dma_start3A_396, %dma_start3A_405, %dma_start3A_406] : memref<8x768x1024xf32, #tpu.memory_space<any>> -> memref<1x768x1024xf32, #tpu.memory_space<any>>
    %dma_start3A_408 = tpu.memref_squeeze %dma_start3A_407 : memref<1x768x1024xf32, #tpu.memory_space<any>> -> memref<768x1024xf32, #tpu.memory_space<any>>
    tpu.enqueue_dma source(%dma_start3A_408 : memref<768x1024xf32, #tpu.memory_space<any>>) target(%dma_start3A_404 : memref<768x1024xf32, #tpu.memory_space<vmem>>) target_semaphore(%dma_start3A_400 : memref<!tpu.dma_semaphore, #tpu.memory_space<semaphore_mem>>)
    %dma_wait3A_409 = arith.constant 4 : i32
    %dma_wait3A_410 = arith.constant 1 : i32
    %dma_wait3A_411 = arith.constant 1 : i32
    %dma_wait3A_412 = tpu.memref_slice %arg9[%dma_wait3A_411] : memref<3x!tpu.dma_semaphore, #tpu.memory_space<semaphore_mem>> -> memref<1x!tpu.dma_semaphore, #tpu.memory_space<semaphore_mem>>
    %dma_wait3A_413 = tpu.memref_squeeze %dma_wait3A_412 : memref<1x!tpu.dma_semaphore, #tpu.memory_space<semaphore_mem>> -> memref<!tpu.dma_semaphore, #tpu.memory_space<semaphore_mem>>
    %dma_wait3A_414 = arith.constant 0 : i32
    %dma_wait3A_415 = arith.constant 0 : i32
    %dma_wait3A_416 = tpu.memref_slice %arg7[%dma_wait3A_410, %dma_wait3A_414, %dma_wait3A_415] : memref<3x1024x832xf32, #tpu.memory_space<vmem>> -> memref<1x1024x832xf32, #tpu.memory_space<vmem>>
    %dma_wait3A_417 = tpu.memref_squeeze %dma_wait3A_416 : memref<1x1024x832xf32, #tpu.memory_space<vmem>> -> memref<1024x832xf32, #tpu.memory_space<vmem>>
    %dma_wait3A_418 = arith.constant 0 : i32
    %dma_wait3A_419 = arith.constant 0 : i32
    %dma_wait3A_420 = tpu.memref_slice %arg4[%dma_wait3A_409, %dma_wait3A_418, %dma_wait3A_419] : memref<8x1024x832xf32, #tpu.memory_space<any>> -> memref<1x1024x832xf32, #tpu.memory_space<any>>
    %dma_wait3A_421 = tpu.memref_squeeze %dma_wait3A_420 : memref<1x1024x832xf32, #tpu.memory_space<any>> -> memref<1024x832xf32, #tpu.memory_space<any>>
    tpu.wait_dma2 semaphore(%dma_wait3A_413 : memref<!tpu.dma_semaphore, #tpu.memory_space<semaphore_mem>>) src(%dma_wait3A_421 : memref<1024x832xf32, #tpu.memory_space<any>>) dst(%dma_wait3A_417 : memref<1024x832xf32, #tpu.memory_space<vmem>>)
    %dma_wait3A_422 = arith.constant 4 : i32
    %dma_wait3A_423 = arith.constant 1 : i32
    %dma_wait3A_424 = arith.constant 1 : i32
    %dma_wait3A_425 = tpu.memref_slice %arg10[%dma_wait3A_424] : memref<3x!tpu.dma_semaphore, #tpu.memory_space<semaphore_mem>> -> memref<1x!tpu.dma_semaphore, #tpu.memory_space<semaphore_mem>>
    %dma_wait3A_426 = tpu.memref_squeeze %dma_wait3A_425 : memref<1x!tpu.dma_semaphore, #tpu.memory_space<semaphore_mem>> -> memref<!tpu.dma_semaphore, #tpu.memory_space<semaphore_mem>>
    %dma_wait3A_427 = arith.constant 0 : i32
    %dma_wait3A_428 = arith.constant 0 : i32
    %dma_wait3A_429 = tpu.memref_slice %arg8[%dma_wait3A_423, %dma_wait3A_427, %dma_wait3A_428] : memref<3x768x1024xf32, #tpu.memory_space<vmem>> -> memref<1x768x1024xf32, #tpu.memory_space<vmem>>
    %dma_wait3A_430 = tpu.memref_squeeze %dma_wait3A_429 : memref<1x768x1024xf32, #tpu.memory_space<vmem>> -> memref<768x1024xf32, #tpu.memory_space<vmem>>
    %dma_wait3A_431 = arith.constant 0 : i32
    %dma_wait3A_432 = arith.constant 0 : i32
    %dma_wait3A_433 = tpu.memref_slice %arg5[%dma_wait3A_422, %dma_wait3A_431, %dma_wait3A_432] : memref<8x768x1024xf32, #tpu.memory_space<any>> -> memref<1x768x1024xf32, #tpu.memory_space<any>>
    %dma_wait3A_434 = tpu.memref_squeeze %dma_wait3A_433 : memref<1x768x1024xf32, #tpu.memory_space<any>> -> memref<768x1024xf32, #tpu.memory_space<any>>
    tpu.wait_dma2 semaphore(%dma_wait3A_426 : memref<!tpu.dma_semaphore, #tpu.memory_space<semaphore_mem>>) src(%dma_wait3A_434 : memref<768x1024xf32, #tpu.memory_space<any>>) dst(%dma_wait3A_430 : memref<768x1024xf32, #tpu.memory_space<vmem>>)
    %get3A_435 = arith.constant 4 : index
    %get3A_436 = memref.load %arg1[%get3A_435] : memref<16xi32, #tpu.memory_space<smem>>
    %get3A_437 = arith.constant 12 : index
    %get3A_438 = memref.load %arg1[%get3A_437] : memref<16xi32, #tpu.memory_space<smem>>
    %get3A_439 = arith.constant 1 : index
    %get3A_440 = arith.constant 0 : index
    %get3A_441 = arith.constant 0 : index
    %get3A_442 = vector.load %arg7[%get3A_439, %get3A_440, %get3A_441] : memref<3x1024x832xf32, #tpu.memory_space<vmem>>, vector<1x1024x768xf32>
    %get3A_443 = vector.shape_cast %get3A_442 : vector<1x1024x768xf32> to vector<1024x768xf32>
    %convert_element_type3A_444 = arith.truncf %get3A_443 : vector<1024x768xf32> to vector<1024x768xbf16>
    %get3A_445 = arith.constant 1 : index
    %get3A_446 = arith.constant 0 : index
    %get3A_447 = arith.constant 768 : index
    %get3A_448 = vector.load %arg7[%get3A_445, %get3A_446, %get3A_447] : memref<3x1024x832xf32, #tpu.memory_space<vmem>>, vector<1x1024x64xf32>
    %get3A_449 = vector.shape_cast %get3A_448 : vector<1x1024x64xf32> to vector<1024x64xf32>
    %convert_element_type3A_450 = arith.truncf %get3A_449 : vector<1024x64xf32> to vector<1024x64xbf16>
    %get3A_451 = arith.constant 1 : index
    %get3A_452 = arith.constant 0 : index
    %get3A_453 = arith.constant 0 : index
    %get3A_454 = vector.load %arg8[%get3A_451, %get3A_452, %get3A_453] : memref<3x768x1024xf32, #tpu.memory_space<vmem>>, vector<1x768x1024xf32>
    %get3A_455 = vector.shape_cast %get3A_454 : vector<1x768x1024xf32> to vector<768x1024xf32>
    %convert_element_type3A_456 = arith.truncf %get3A_455 : vector<768x1024xf32> to vector<768x1024xbf16>
    %while3A_457 = arith.constant 0 : i32
    %while3A_458 = arith.constant 0 : i32
    %while3A_459 = arith.subi %get3A_438, %while3A_458 : i32
    %while3A_460 = arith.addi %while3A_458, %while3A_459 : i32
    %while3A_461 = arith.constant 1 : i32
    %while3A_462 = arith.divsi %while3A_459, %while3A_461 : i32
    %while3A_463 = arith.muli %while3A_462, %while3A_461 : i32
    %while3A_464 = arith.addi %while3A_458, %while3A_463 : i32
    %while3A_465 = arith.constant 1 : i32
    scf.for %while3A_667 = %while3A_458 to %while3A_464 step %while3A_465  : i32 {
      %mul3A = arith.constant 256 : i32
      %mul3A_668 = arith.muli %while3A_667, %mul3A : i32
      %add3A = arith.addi %get3A_436, %mul3A_668 : i32
      %multiple_of3A = tpu.assume_multiple %add3A, 8 : i32
      %get3A_669 = arith.index_cast %multiple_of3A : i32 to index
      %get3A_670 = arith.constant 0 : index
      %get3A_671 = vector.load %arg2[%get3A_669, %get3A_670] : memref<2360x768xf32, #tpu.memory_space<vmem>>, vector<256x768xf32>
      %convert_element_type3A_672 = arith.truncf %get3A_671 : vector<256x768xf32> to vector<256x768xbf16>
      %get3A_673 = arith.index_cast %multiple_of3A : i32 to index
      %get3A_674 = arith.constant 0 : index
      %get3A_675 = vector.load %arg3[%get3A_673, %get3A_674] : memref<2360x128xf32, #tpu.memory_space<vmem>>, vector<256x64xf32>
      %convert_element_type3A_676 = arith.truncf %get3A_675 : vector<256x64xf32> to vector<256x64xbf16>
      %dot_general3A = arith.constant dense<0.000000e+00> : vector<256x1024xf32>
      %dot_general3A_677 = tpu.matmul %convert_element_type3A_672, %convert_element_type3A_444, %dot_general3A {dimension_numbers = #tpu.dot_dimension_numbers<[1], [1], [0], [0], [0, 0, 1, 0], [], []>, transpose_lhs_hint = false} : vector<256x768xbf16>, vector<1024x768xbf16>, vector<256x1024xf32> -> vector<256x1024xf32>
      %dot_general3A_678 = arith.constant dense<0.000000e+00> : vector<256x1024xf32>
      %dot_general3A_679 = tpu.matmul %convert_element_type3A_676, %convert_element_type3A_450, %dot_general3A_678 {dimension_numbers = #tpu.dot_dimension_numbers<[1], [1], [0], [0], [0, 0, 1, 0], [], []>, transpose_lhs_hint = false} : vector<256x64xbf16>, vector<1024x64xbf16>, vector<256x1024xf32> -> vector<256x1024xf32>
      %add3A_680 = arith.addf %dot_general3A_677, %dot_general3A_679 : vector<256x1024xf32>
      %max3A = arith.constant 0.000000e+00 : f32
      %max3A_681 = vector.broadcast %max3A : f32 to vector<256x1024xf32>
      %max3A_682 = arith.maximumf %add3A_680, %max3A_681 : vector<256x1024xf32>
      %convert_element_type3A_683 = arith.truncf %max3A_682 : vector<256x1024xf32> to vector<256x1024xbf16>
      %dot_general3A_684 = arith.constant dense<0.000000e+00> : vector<256x768xf32>
      %dot_general3A_685 = tpu.matmul %convert_element_type3A_683, %convert_element_type3A_456, %dot_general3A_684 {dimension_numbers = #tpu.dot_dimension_numbers<[1], [1], [0], [0], [0, 0, 1, 0], [], []>, transpose_lhs_hint = false} : vector<256x1024xbf16>, vector<768x1024xbf16>, vector<256x768xf32> -> vector<256x768xf32>
      %swap3A = arith.index_cast %multiple_of3A : i32 to index
      %swap3A_686 = arith.constant 0 : index
      %swap3A_687 = vector.load %arg6[%swap3A, %swap3A_686] : memref<2360x768xf32, #tpu.memory_space<vmem>>, vector<256x768xf32>
      tpu.vector_store %arg6[%swap3A, %swap3A_686], %dot_general3A_685 {strides = array<i32>} : memref<2360x768xf32, #tpu.memory_space<vmem>>, vector<256x768xf32>,
    }
    %while3A_466 = arith.constant 1 : i32
    scf.for %while3A_667 = %while3A_464 to %while3A_460 step %while3A_466  : i32 {
      %mul3A = arith.constant 256 : i32
      %mul3A_668 = arith.muli %while3A_667, %mul3A : i32
      %add3A = arith.addi %get3A_436, %mul3A_668 : i32
      %multiple_of3A = tpu.assume_multiple %add3A, 8 : i32
      %get3A_669 = arith.index_cast %multiple_of3A : i32 to index
      %get3A_670 = arith.constant 0 : index
      %get3A_671 = vector.load %arg2[%get3A_669, %get3A_670] : memref<2360x768xf32, #tpu.memory_space<vmem>>, vector<256x768xf32>
      %convert_element_type3A_672 = arith.truncf %get3A_671 : vector<256x768xf32> to vector<256x768xbf16>
      %get3A_673 = arith.index_cast %multiple_of3A : i32 to index
      %get3A_674 = arith.constant 0 : index
      %get3A_675 = vector.load %arg3[%get3A_673, %get3A_674] : memref<2360x128xf32, #tpu.memory_space<vmem>>, vector<256x64xf32>
      %convert_element_type3A_676 = arith.truncf %get3A_675 : vector<256x64xf32> to vector<256x64xbf16>
      %dot_general3A = arith.constant dense<0.000000e+00> : vector<256x1024xf32>
      %dot_general3A_677 = tpu.matmul %convert_element_type3A_672, %convert_element_type3A_444, %dot_general3A {dimension_numbers = #tpu.dot_dimension_numbers<[1], [1], [0], [0], [0, 0, 1, 0], [], []>, transpose_lhs_hint = false} : vector<256x768xbf16>, vector<1024x768xbf16>, vector<256x1024xf32> -> vector<256x1024xf32>
      %dot_general3A_678 = arith.constant dense<0.000000e+00> : vector<256x1024xf32>
      %dot_general3A_679 = tpu.matmul %convert_element_type3A_676, %convert_element_type3A_450, %dot_general3A_678 {dimension_numbers = #tpu.dot_dimension_numbers<[1], [1], [0], [0], [0, 0, 1, 0], [], []>, transpose_lhs_hint = false} : vector<256x64xbf16>, vector<1024x64xbf16>, vector<256x1024xf32> -> vector<256x1024xf32>
      %add3A_680 = arith.addf %dot_general3A_677, %dot_general3A_679 : vector<256x1024xf32>
      %max3A = arith.constant 0.000000e+00 : f32
      %max3A_681 = vector.broadcast %max3A : f32 to vector<256x1024xf32>
      %max3A_682 = arith.maximumf %add3A_680, %max3A_681 : vector<256x1024xf32>
      %convert_element_type3A_683 = arith.truncf %max3A_682 : vector<256x1024xf32> to vector<256x1024xbf16>
      %dot_general3A_684 = arith.constant dense<0.000000e+00> : vector<256x768xf32>
      %dot_general3A_685 = tpu.matmul %convert_element_type3A_683, %convert_element_type3A_456, %dot_general3A_684 {dimension_numbers = #tpu.dot_dimension_numbers<[1], [1], [0], [0], [0, 0, 1, 0], [], []>, transpose_lhs_hint = false} : vector<256x1024xbf16>, vector<768x1024xbf16>, vector<256x768xf32> -> vector<256x768xf32>
      %swap3A = arith.index_cast %multiple_of3A : i32 to index
      %swap3A_686 = arith.constant 0 : index
      %swap3A_687 = vector.load %arg6[%swap3A, %swap3A_686] : memref<2360x768xf32, #tpu.memory_space<vmem>>, vector<256x768xf32>
      tpu.vector_store %arg6[%swap3A, %swap3A_686], %dot_general3A_685 {strides = array<i32>} : memref<2360x768xf32, #tpu.memory_space<vmem>>, vector<256x768xf32>,
    }
    %dma_start3A_467 = arith.constant 7 : i32
    %dma_start3A_468 = arith.constant 1 : i32
    %dma_start3A_469 = arith.constant 1 : i32
    %dma_start3A_470 = tpu.memref_slice %arg9[%dma_start3A_469] : memref<3x!tpu.dma_semaphore, #tpu.memory_space<semaphore_mem>> -> memref<1x!tpu.dma_semaphore, #tpu.memory_space<semaphore_mem>>
    %dma_start3A_471 = tpu.memref_squeeze %dma_start3A_470 : memref<1x!tpu.dma_semaphore, #tpu.memory_space<semaphore_mem>> -> memref<!tpu.dma_semaphore, #tpu.memory_space<semaphore_mem>>
    %dma_start3A_472 = arith.constant 0 : i32
    %dma_start3A_473 = arith.constant 0 : i32
    %dma_start3A_474 = tpu.memref_slice %arg7[%dma_start3A_468, %dma_start3A_472, %dma_start3A_473] : memref<3x1024x832xf32, #tpu.memory_space<vmem>> -> memref<1x1024x832xf32, #tpu.memory_space<vmem>>
    %dma_start3A_475 = tpu.memref_squeeze %dma_start3A_474 : memref<1x1024x832xf32, #tpu.memory_space<vmem>> -> memref<1024x832xf32, #tpu.memory_space<vmem>>
    %dma_start3A_476 = arith.constant 0 : i32
    %dma_start3A_477 = arith.constant 0 : i32
    %dma_start3A_478 = tpu.memref_slice %arg4[%dma_start3A_467, %dma_start3A_476, %dma_start3A_477] : memref<8x1024x832xf32, #tpu.memory_space<any>> -> memref<1x1024x832xf32, #tpu.memory_space<any>>
    %dma_start3A_479 = tpu.memref_squeeze %dma_start3A_478 : memref<1x1024x832xf32, #tpu.memory_space<any>> -> memref<1024x832xf32, #tpu.memory_space<any>>
    tpu.enqueue_dma source(%dma_start3A_479 : memref<1024x832xf32, #tpu.memory_space<any>>) target(%dma_start3A_475 : memref<1024x832xf32, #tpu.memory_space<vmem>>) target_semaphore(%dma_start3A_471 : memref<!tpu.dma_semaphore, #tpu.memory_space<semaphore_mem>>)
    %dma_start3A_480 = arith.constant 7 : i32
    %dma_start3A_481 = arith.constant 1 : i32
    %dma_start3A_482 = arith.constant 1 : i32
    %dma_start3A_483 = tpu.memref_slice %arg10[%dma_start3A_482] : memref<3x!tpu.dma_semaphore, #tpu.memory_space<semaphore_mem>> -> memref<1x!tpu.dma_semaphore, #tpu.memory_space<semaphore_mem>>
    %dma_start3A_484 = tpu.memref_squeeze %dma_start3A_483 : memref<1x!tpu.dma_semaphore, #tpu.memory_space<semaphore_mem>> -> memref<!tpu.dma_semaphore, #tpu.memory_space<semaphore_mem>>
    %dma_start3A_485 = arith.constant 0 : i32
    %dma_start3A_486 = arith.constant 0 : i32
    %dma_start3A_487 = tpu.memref_slice %arg8[%dma_start3A_481, %dma_start3A_485, %dma_start3A_486] : memref<3x768x1024xf32, #tpu.memory_space<vmem>> -> memref<1x768x1024xf32, #tpu.memory_space<vmem>>
    %dma_start3A_488 = tpu.memref_squeeze %dma_start3A_487 : memref<1x768x1024xf32, #tpu.memory_space<vmem>> -> memref<768x1024xf32, #tpu.memory_space<vmem>>
    %dma_start3A_489 = arith.constant 0 : i32
    %dma_start3A_490 = arith.constant 0 : i32
    %dma_start3A_491 = tpu.memref_slice %arg5[%dma_start3A_480, %dma_start3A_489, %dma_start3A_490] : memref<8x768x1024xf32, #tpu.memory_space<any>> -> memref<1x768x1024xf32, #tpu.memory_space<any>>
    %dma_start3A_492 = tpu.memref_squeeze %dma_start3A_491 : memref<1x768x1024xf32, #tpu.memory_space<any>> -> memref<768x1024xf32, #tpu.memory_space<any>>
    tpu.enqueue_dma source(%dma_start3A_492 : memref<768x1024xf32, #tpu.memory_space<any>>) target(%dma_start3A_488 : memref<768x1024xf32, #tpu.memory_space<vmem>>) target_semaphore(%dma_start3A_484 : memref<!tpu.dma_semaphore, #tpu.memory_space<semaphore_mem>>)
    %dma_wait3A_493 = arith.constant 5 : i32
    %dma_wait3A_494 = arith.constant 2 : i32
    %dma_wait3A_495 = arith.constant 2 : i32
    %dma_wait3A_496 = tpu.memref_slice %arg9[%dma_wait3A_495] : memref<3x!tpu.dma_semaphore, #tpu.memory_space<semaphore_mem>> -> memref<1x!tpu.dma_semaphore, #tpu.memory_space<semaphore_mem>>
    %dma_wait3A_497 = tpu.memref_squeeze %dma_wait3A_496 : memref<1x!tpu.dma_semaphore, #tpu.memory_space<semaphore_mem>> -> memref<!tpu.dma_semaphore, #tpu.memory_space<semaphore_mem>>
    %dma_wait3A_498 = arith.constant 0 : i32
    %dma_wait3A_499 = arith.constant 0 : i32
    %dma_wait3A_500 = tpu.memref_slice %arg7[%dma_wait3A_494, %dma_wait3A_498, %dma_wait3A_499] : memref<3x1024x832xf32, #tpu.memory_space<vmem>> -> memref<1x1024x832xf32, #tpu.memory_space<vmem>>
    %dma_wait3A_501 = tpu.memref_squeeze %dma_wait3A_500 : memref<1x1024x832xf32, #tpu.memory_space<vmem>> -> memref<1024x832xf32, #tpu.memory_space<vmem>>
    %dma_wait3A_502 = arith.constant 0 : i32
    %dma_wait3A_503 = arith.constant 0 : i32
    %dma_wait3A_504 = tpu.memref_slice %arg4[%dma_wait3A_493, %dma_wait3A_502, %dma_wait3A_503] : memref<8x1024x832xf32, #tpu.memory_space<any>> -> memref<1x1024x832xf32, #tpu.memory_space<any>>
    %dma_wait3A_505 = tpu.memref_squeeze %dma_wait3A_504 : memref<1x1024x832xf32, #tpu.memory_space<any>> -> memref<1024x832xf32, #tpu.memory_space<any>>
    tpu.wait_dma2 semaphore(%dma_wait3A_497 : memref<!tpu.dma_semaphore, #tpu.memory_space<semaphore_mem>>) src(%dma_wait3A_505 : memref<1024x832xf32, #tpu.memory_space<any>>) dst(%dma_wait3A_501 : memref<1024x832xf32, #tpu.memory_space<vmem>>)
    %dma_wait3A_506 = arith.constant 5 : i32
    %dma_wait3A_507 = arith.constant 2 : i32
    %dma_wait3A_508 = arith.constant 2 : i32
    %dma_wait3A_509 = tpu.memref_slice %arg10[%dma_wait3A_508] : memref<3x!tpu.dma_semaphore, #tpu.memory_space<semaphore_mem>> -> memref<1x!tpu.dma_semaphore, #tpu.memory_space<semaphore_mem>>
    %dma_wait3A_510 = tpu.memref_squeeze %dma_wait3A_509 : memref<1x!tpu.dma_semaphore, #tpu.memory_space<semaphore_mem>> -> memref<!tpu.dma_semaphore, #tpu.memory_space<semaphore_mem>>
    %dma_wait3A_511 = arith.constant 0 : i32
    %dma_wait3A_512 = arith.constant 0 : i32
    %dma_wait3A_513 = tpu.memref_slice %arg8[%dma_wait3A_507, %dma_wait3A_511, %dma_wait3A_512] : memref<3x768x1024xf32, #tpu.memory_space<vmem>> -> memref<1x768x1024xf32, #tpu.memory_space<vmem>>
    %dma_wait3A_514 = tpu.memref_squeeze %dma_wait3A_513 : memref<1x768x1024xf32, #tpu.memory_space<vmem>> -> memref<768x1024xf32, #tpu.memory_space<vmem>>
    %dma_wait3A_515 = arith.constant 0 : i32
    %dma_wait3A_516 = arith.constant 0 : i32
    %dma_wait3A_517 = tpu.memref_slice %arg5[%dma_wait3A_506, %dma_wait3A_515, %dma_wait3A_516] : memref<8x768x1024xf32, #tpu.memory_space<any>> -> memref<1x768x1024xf32, #tpu.memory_space<any>>
    %dma_wait3A_518 = tpu.memref_squeeze %dma_wait3A_517 : memref<1x768x1024xf32, #tpu.memory_space<any>> -> memref<768x1024xf32, #tpu.memory_space<any>>
    tpu.wait_dma2 semaphore(%dma_wait3A_510 : memref<!tpu.dma_semaphore, #tpu.memory_space<semaphore_mem>>) src(%dma_wait3A_518 : memref<768x1024xf32, #tpu.memory_space<any>>) dst(%dma_wait3A_514 : memref<768x1024xf32, #tpu.memory_space<vmem>>)
    %get3A_519 = arith.constant 5 : index
    %get3A_520 = memref.load %arg1[%get3A_519] : memref<16xi32, #tpu.memory_space<smem>>
    %get3A_521 = arith.constant 13 : index
    %get3A_522 = memref.load %arg1[%get3A_521] : memref<16xi32, #tpu.memory_space<smem>>
    %get3A_523 = arith.constant 2 : index
    %get3A_524 = arith.constant 0 : index
    %get3A_525 = arith.constant 0 : index
    %get3A_526 = vector.load %arg7[%get3A_523, %get3A_524, %get3A_525] : memref<3x1024x832xf32, #tpu.memory_space<vmem>>, vector<1x1024x768xf32>
    %get3A_527 = vector.shape_cast %get3A_526 : vector<1x1024x768xf32> to vector<1024x768xf32>
    %convert_element_type3A_528 = arith.truncf %get3A_527 : vector<1024x768xf32> to vector<1024x768xbf16>
    %get3A_529 = arith.constant 2 : index
    %get3A_530 = arith.constant 0 : index
    %get3A_531 = arith.constant 768 : index
    %get3A_532 = vector.load %arg7[%get3A_529, %get3A_530, %get3A_531] : memref<3x1024x832xf32, #tpu.memory_space<vmem>>, vector<1x1024x64xf32>
    %get3A_533 = vector.shape_cast %get3A_532 : vector<1x1024x64xf32> to vector<1024x64xf32>
    %convert_element_type3A_534 = arith.truncf %get3A_533 : vector<1024x64xf32> to vector<1024x64xbf16>
    %get3A_535 = arith.constant 2 : index
    %get3A_536 = arith.constant 0 : index
    %get3A_537 = arith.constant 0 : index
    %get3A_538 = vector.load %arg8[%get3A_535, %get3A_536, %get3A_537] : memref<3x768x1024xf32, #tpu.memory_space<vmem>>, vector<1x768x1024xf32>
    %get3A_539 = vector.shape_cast %get3A_538 : vector<1x768x1024xf32> to vector<768x1024xf32>
    %convert_element_type3A_540 = arith.truncf %get3A_539 : vector<768x1024xf32> to vector<768x1024xbf16>
    %while3A_541 = arith.constant 0 : i32
    %while3A_542 = arith.constant 0 : i32
    %while3A_543 = arith.subi %get3A_522, %while3A_542 : i32
    %while3A_544 = arith.addi %while3A_542, %while3A_543 : i32
    %while3A_545 = arith.constant 1 : i32
    %while3A_546 = arith.divsi %while3A_543, %while3A_545 : i32
    %while3A_547 = arith.muli %while3A_546, %while3A_545 : i32
    %while3A_548 = arith.addi %while3A_542, %while3A_547 : i32
    %while3A_549 = arith.constant 1 : i32
    scf.for %while3A_667 = %while3A_542 to %while3A_548 step %while3A_549  : i32 {
      %mul3A = arith.constant 256 : i32
      %mul3A_668 = arith.muli %while3A_667, %mul3A : i32
      %add3A = arith.addi %get3A_520, %mul3A_668 : i32
      %multiple_of3A = tpu.assume_multiple %add3A, 8 : i32
      %get3A_669 = arith.index_cast %multiple_of3A : i32 to index
      %get3A_670 = arith.constant 0 : index
      %get3A_671 = vector.load %arg2[%get3A_669, %get3A_670] : memref<2360x768xf32, #tpu.memory_space<vmem>>, vector<256x768xf32>
      %convert_element_type3A_672 = arith.truncf %get3A_671 : vector<256x768xf32> to vector<256x768xbf16>
      %get3A_673 = arith.index_cast %multiple_of3A : i32 to index
      %get3A_674 = arith.constant 0 : index
      %get3A_675 = vector.load %arg3[%get3A_673, %get3A_674] : memref<2360x128xf32, #tpu.memory_space<vmem>>, vector<256x64xf32>
      %convert_element_type3A_676 = arith.truncf %get3A_675 : vector<256x64xf32> to vector<256x64xbf16>
      %dot_general3A = arith.constant dense<0.000000e+00> : vector<256x1024xf32>
      %dot_general3A_677 = tpu.matmul %convert_element_type3A_672, %convert_element_type3A_528, %dot_general3A {dimension_numbers = #tpu.dot_dimension_numbers<[1], [1], [0], [0], [0, 0, 1, 0], [], []>, transpose_lhs_hint = false} : vector<256x768xbf16>, vector<1024x768xbf16>, vector<256x1024xf32> -> vector<256x1024xf32>
      %dot_general3A_678 = arith.constant dense<0.000000e+00> : vector<256x1024xf32>
      %dot_general3A_679 = tpu.matmul %convert_element_type3A_676, %convert_element_type3A_534, %dot_general3A_678 {dimension_numbers = #tpu.dot_dimension_numbers<[1], [1], [0], [0], [0, 0, 1, 0], [], []>, transpose_lhs_hint = false} : vector<256x64xbf16>, vector<1024x64xbf16>, vector<256x1024xf32> -> vector<256x1024xf32>
      %add3A_680 = arith.addf %dot_general3A_677, %dot_general3A_679 : vector<256x1024xf32>
      %max3A = arith.constant 0.000000e+00 : f32
      %max3A_681 = vector.broadcast %max3A : f32 to vector<256x1024xf32>
      %max3A_682 = arith.maximumf %add3A_680, %max3A_681 : vector<256x1024xf32>
      %convert_element_type3A_683 = arith.truncf %max3A_682 : vector<256x1024xf32> to vector<256x1024xbf16>
      %dot_general3A_684 = arith.constant dense<0.000000e+00> : vector<256x768xf32>
      %dot_general3A_685 = tpu.matmul %convert_element_type3A_683, %convert_element_type3A_540, %dot_general3A_684 {dimension_numbers = #tpu.dot_dimension_numbers<[1], [1], [0], [0], [0, 0, 1, 0], [], []>, transpose_lhs_hint = false} : vector<256x1024xbf16>, vector<768x1024xbf16>, vector<256x768xf32> -> vector<256x768xf32>
      %swap3A = arith.index_cast %multiple_of3A : i32 to index
      %swap3A_686 = arith.constant 0 : index
      %swap3A_687 = vector.load %arg6[%swap3A, %swap3A_686] : memref<2360x768xf32, #tpu.memory_space<vmem>>, vector<256x768xf32>
      tpu.vector_store %arg6[%swap3A, %swap3A_686], %dot_general3A_685 {strides = array<i32>} : memref<2360x768xf32, #tpu.memory_space<vmem>>, vector<256x768xf32>,
    }
    %while3A_550 = arith.constant 1 : i32
    scf.for %while3A_667 = %while3A_548 to %while3A_544 step %while3A_550  : i32 {
      %mul3A = arith.constant 256 : i32
      %mul3A_668 = arith.muli %while3A_667, %mul3A : i32
      %add3A = arith.addi %get3A_520, %mul3A_668 : i32
      %multiple_of3A = tpu.assume_multiple %add3A, 8 : i32
      %get3A_669 = arith.index_cast %multiple_of3A : i32 to index
      %get3A_670 = arith.constant 0 : index
      %get3A_671 = vector.load %arg2[%get3A_669, %get3A_670] : memref<2360x768xf32, #tpu.memory_space<vmem>>, vector<256x768xf32>
      %convert_element_type3A_672 = arith.truncf %get3A_671 : vector<256x768xf32> to vector<256x768xbf16>
      %get3A_673 = arith.index_cast %multiple_of3A : i32 to index
      %get3A_674 = arith.constant 0 : index
      %get3A_675 = vector.load %arg3[%get3A_673, %get3A_674] : memref<2360x128xf32, #tpu.memory_space<vmem>>, vector<256x64xf32>
      %convert_element_type3A_676 = arith.truncf %get3A_675 : vector<256x64xf32> to vector<256x64xbf16>
      %dot_general3A = arith.constant dense<0.000000e+00> : vector<256x1024xf32>
      %dot_general3A_677 = tpu.matmul %convert_element_type3A_672, %convert_element_type3A_528, %dot_general3A {dimension_numbers = #tpu.dot_dimension_numbers<[1], [1], [0], [0], [0, 0, 1, 0], [], []>, transpose_lhs_hint = false} : vector<256x768xbf16>, vector<1024x768xbf16>, vector<256x1024xf32> -> vector<256x1024xf32>
      %dot_general3A_678 = arith.constant dense<0.000000e+00> : vector<256x1024xf32>
      %dot_general3A_679 = tpu.matmul %convert_element_type3A_676, %convert_element_type3A_534, %dot_general3A_678 {dimension_numbers = #tpu.dot_dimension_numbers<[1], [1], [0], [0], [0, 0, 1, 0], [], []>, transpose_lhs_hint = false} : vector<256x64xbf16>, vector<1024x64xbf16>, vector<256x1024xf32> -> vector<256x1024xf32>
      %add3A_680 = arith.addf %dot_general3A_677, %dot_general3A_679 : vector<256x1024xf32>
      %max3A = arith.constant 0.000000e+00 : f32
      %max3A_681 = vector.broadcast %max3A : f32 to vector<256x1024xf32>
      %max3A_682 = arith.maximumf %add3A_680, %max3A_681 : vector<256x1024xf32>
      %convert_element_type3A_683 = arith.truncf %max3A_682 : vector<256x1024xf32> to vector<256x1024xbf16>
      %dot_general3A_684 = arith.constant dense<0.000000e+00> : vector<256x768xf32>
      %dot_general3A_685 = tpu.matmul %convert_element_type3A_683, %convert_element_type3A_540, %dot_general3A_684 {dimension_numbers = #tpu.dot_dimension_numbers<[1], [1], [0], [0], [0, 0, 1, 0], [], []>, transpose_lhs_hint = false} : vector<256x1024xbf16>, vector<768x1024xbf16>, vector<256x768xf32> -> vector<256x768xf32>
      %swap3A = arith.index_cast %multiple_of3A : i32 to index
      %swap3A_686 = arith.constant 0 : index
      %swap3A_687 = vector.load %arg6[%swap3A, %swap3A_686] : memref<2360x768xf32, #tpu.memory_space<vmem>>, vector<256x768xf32>
      tpu.vector_store %arg6[%swap3A, %swap3A_686], %dot_general3A_685 {strides = array<i32>} : memref<2360x768xf32, #tpu.memory_space<vmem>>, vector<256x768xf32>,
    }
    %dma_wait3A_551 = arith.constant 6 : i32
    %dma_wait3A_552 = arith.constant 0 : i32
    %dma_wait3A_553 = arith.constant 0 : i32
    %dma_wait3A_554 = tpu.memref_slice %arg9[%dma_wait3A_553] : memref<3x!tpu.dma_semaphore, #tpu.memory_space<semaphore_mem>> -> memref<1x!tpu.dma_semaphore, #tpu.memory_space<semaphore_mem>>
    %dma_wait3A_555 = tpu.memref_squeeze %dma_wait3A_554 : memref<1x!tpu.dma_semaphore, #tpu.memory_space<semaphore_mem>> -> memref<!tpu.dma_semaphore, #tpu.memory_space<semaphore_mem>>
    %dma_wait3A_556 = arith.constant 0 : i32
    %dma_wait3A_557 = arith.constant 0 : i32
    %dma_wait3A_558 = tpu.memref_slice %arg7[%dma_wait3A_552, %dma_wait3A_556, %dma_wait3A_557] : memref<3x1024x832xf32, #tpu.memory_space<vmem>> -> memref<1x1024x832xf32, #tpu.memory_space<vmem>>
    %dma_wait3A_559 = tpu.memref_squeeze %dma_wait3A_558 : memref<1x1024x832xf32, #tpu.memory_space<vmem>> -> memref<1024x832xf32, #tpu.memory_space<vmem>>
    %dma_wait3A_560 = arith.constant 0 : i32
    %dma_wait3A_561 = arith.constant 0 : i32
    %dma_wait3A_562 = tpu.memref_slice %arg4[%dma_wait3A_551, %dma_wait3A_560, %dma_wait3A_561] : memref<8x1024x832xf32, #tpu.memory_space<any>> -> memref<1x1024x832xf32, #tpu.memory_space<any>>
    %dma_wait3A_563 = tpu.memref_squeeze %dma_wait3A_562 : memref<1x1024x832xf32, #tpu.memory_space<any>> -> memref<1024x832xf32, #tpu.memory_space<any>>
    tpu.wait_dma2 semaphore(%dma_wait3A_555 : memref<!tpu.dma_semaphore, #tpu.memory_space<semaphore_mem>>) src(%dma_wait3A_563 : memref<1024x832xf32, #tpu.memory_space<any>>) dst(%dma_wait3A_559 : memref<1024x832xf32, #tpu.memory_space<vmem>>)
    %dma_wait3A_564 = arith.constant 6 : i32
    %dma_wait3A_565 = arith.constant 0 : i32
    %dma_wait3A_566 = arith.constant 0 : i32
    %dma_wait3A_567 = tpu.memref_slice %arg10[%dma_wait3A_566] : memref<3x!tpu.dma_semaphore, #tpu.memory_space<semaphore_mem>> -> memref<1x!tpu.dma_semaphore, #tpu.memory_space<semaphore_mem>>
    %dma_wait3A_568 = tpu.memref_squeeze %dma_wait3A_567 : memref<1x!tpu.dma_semaphore, #tpu.memory_space<semaphore_mem>> -> memref<!tpu.dma_semaphore, #tpu.memory_space<semaphore_mem>>
    %dma_wait3A_569 = arith.constant 0 : i32
    %dma_wait3A_570 = arith.constant 0 : i32
    %dma_wait3A_571 = tpu.memref_slice %arg8[%dma_wait3A_565, %dma_wait3A_569, %dma_wait3A_570] : memref<3x768x1024xf32, #tpu.memory_space<vmem>> -> memref<1x768x1024xf32, #tpu.memory_space<vmem>>
    %dma_wait3A_572 = tpu.memref_squeeze %dma_wait3A_571 : memref<1x768x1024xf32, #tpu.memory_space<vmem>> -> memref<768x1024xf32, #tpu.memory_space<vmem>>
    %dma_wait3A_573 = arith.constant 0 : i32
    %dma_wait3A_574 = arith.constant 0 : i32
    %dma_wait3A_575 = tpu.memref_slice %arg5[%dma_wait3A_564, %dma_wait3A_573, %dma_wait3A_574] : memref<8x768x1024xf32, #tpu.memory_space<any>> -> memref<1x768x1024xf32, #tpu.memory_space<any>>
    %dma_wait3A_576 = tpu.memref_squeeze %dma_wait3A_575 : memref<1x768x1024xf32, #tpu.memory_space<any>> -> memref<768x1024xf32, #tpu.memory_space<any>>
    tpu.wait_dma2 semaphore(%dma_wait3A_568 : memref<!tpu.dma_semaphore, #tpu.memory_space<semaphore_mem>>) src(%dma_wait3A_576 : memref<768x1024xf32, #tpu.memory_space<any>>) dst(%dma_wait3A_572 : memref<768x1024xf32, #tpu.memory_space<vmem>>)
    %get3A_577 = arith.constant 6 : index
    %get3A_578 = memref.load %arg1[%get3A_577] : memref<16xi32, #tpu.memory_space<smem>>
    %get3A_579 = arith.constant 14 : index
    %get3A_580 = memref.load %arg1[%get3A_579] : memref<16xi32, #tpu.memory_space<smem>>
    %get3A_581 = arith.constant 0 : index
    %get3A_582 = arith.constant 0 : index
    %get3A_583 = arith.constant 0 : index
    %get3A_584 = vector.load %arg7[%get3A_581, %get3A_582, %get3A_583] : memref<3x1024x832xf32, #tpu.memory_space<vmem>>, vector<1x1024x768xf32>
    %get3A_585 = vector.shape_cast %get3A_584 : vector<1x1024x768xf32> to vector<1024x768xf32>
    %convert_element_type3A_586 = arith.truncf %get3A_585 : vector<1024x768xf32> to vector<1024x768xbf16>
    %get3A_587 = arith.constant 0 : index
    %get3A_588 = arith.constant 0 : index
    %get3A_589 = arith.constant 768 : index
    %get3A_590 = vector.load %arg7[%get3A_587, %get3A_588, %get3A_589] : memref<3x1024x832xf32, #tpu.memory_space<vmem>>, vector<1x1024x64xf32>
    %get3A_591 = vector.shape_cast %get3A_590 : vector<1x1024x64xf32> to vector<1024x64xf32>
    %convert_element_type3A_592 = arith.truncf %get3A_591 : vector<1024x64xf32> to vector<1024x64xbf16>
    %get3A_593 = arith.constant 0 : index
    %get3A_594 = arith.constant 0 : index
    %get3A_595 = arith.constant 0 : index
    %get3A_596 = vector.load %arg8[%get3A_593, %get3A_594, %get3A_595] : memref<3x768x1024xf32, #tpu.memory_space<vmem>>, vector<1x768x1024xf32>
    %get3A_597 = vector.shape_cast %get3A_596 : vector<1x768x1024xf32> to vector<768x1024xf32>
    %convert_element_type3A_598 = arith.truncf %get3A_597 : vector<768x1024xf32> to vector<768x1024xbf16>
    %while3A_599 = arith.constant 0 : i32
    %while3A_600 = arith.constant 0 : i32
    %while3A_601 = arith.subi %get3A_580, %while3A_600 : i32
    %while3A_602 = arith.addi %while3A_600, %while3A_601 : i32
    %while3A_603 = arith.constant 1 : i32
    %while3A_604 = arith.divsi %while3A_601, %while3A_603 : i32
    %while3A_605 = arith.muli %while3A_604, %while3A_603 : i32
    %while3A_606 = arith.addi %while3A_600, %while3A_605 : i32
    %while3A_607 = arith.constant 1 : i32
    scf.for %while3A_667 = %while3A_600 to %while3A_606 step %while3A_607  : i32 {
      %mul3A = arith.constant 256 : i32
      %mul3A_668 = arith.muli %while3A_667, %mul3A : i32
      %add3A = arith.addi %get3A_578, %mul3A_668 : i32
      %multiple_of3A = tpu.assume_multiple %add3A, 8 : i32
      %get3A_669 = arith.index_cast %multiple_of3A : i32 to index
      %get3A_670 = arith.constant 0 : index
      %get3A_671 = vector.load %arg2[%get3A_669, %get3A_670] : memref<2360x768xf32, #tpu.memory_space<vmem>>, vector<256x768xf32>
      %convert_element_type3A_672 = arith.truncf %get3A_671 : vector<256x768xf32> to vector<256x768xbf16>
      %get3A_673 = arith.index_cast %multiple_of3A : i32 to index
      %get3A_674 = arith.constant 0 : index
      %get3A_675 = vector.load %arg3[%get3A_673, %get3A_674] : memref<2360x128xf32, #tpu.memory_space<vmem>>, vector<256x64xf32>
      %convert_element_type3A_676 = arith.truncf %get3A_675 : vector<256x64xf32> to vector<256x64xbf16>
      %dot_general3A = arith.constant dense<0.000000e+00> : vector<256x1024xf32>
      %dot_general3A_677 = tpu.matmul %convert_element_type3A_672, %convert_element_type3A_586, %dot_general3A {dimension_numbers = #tpu.dot_dimension_numbers<[1], [1], [0], [0], [0, 0, 1, 0], [], []>, transpose_lhs_hint = false} : vector<256x768xbf16>, vector<1024x768xbf16>, vector<256x1024xf32> -> vector<256x1024xf32>
      %dot_general3A_678 = arith.constant dense<0.000000e+00> : vector<256x1024xf32>
      %dot_general3A_679 = tpu.matmul %convert_element_type3A_676, %convert_element_type3A_592, %dot_general3A_678 {dimension_numbers = #tpu.dot_dimension_numbers<[1], [1], [0], [0], [0, 0, 1, 0], [], []>, transpose_lhs_hint = false} : vector<256x64xbf16>, vector<1024x64xbf16>, vector<256x1024xf32> -> vector<256x1024xf32>
      %add3A_680 = arith.addf %dot_general3A_677, %dot_general3A_679 : vector<256x1024xf32>
      %max3A = arith.constant 0.000000e+00 : f32
      %max3A_681 = vector.broadcast %max3A : f32 to vector<256x1024xf32>
      %max3A_682 = arith.maximumf %add3A_680, %max3A_681 : vector<256x1024xf32>
      %convert_element_type3A_683 = arith.truncf %max3A_682 : vector<256x1024xf32> to vector<256x1024xbf16>
      %dot_general3A_684 = arith.constant dense<0.000000e+00> : vector<256x768xf32>
      %dot_general3A_685 = tpu.matmul %convert_element_type3A_683, %convert_element_type3A_598, %dot_general3A_684 {dimension_numbers = #tpu.dot_dimension_numbers<[1], [1], [0], [0], [0, 0, 1, 0], [], []>, transpose_lhs_hint = false} : vector<256x1024xbf16>, vector<768x1024xbf16>, vector<256x768xf32> -> vector<256x768xf32>
      %swap3A = arith.index_cast %multiple_of3A : i32 to index
      %swap3A_686 = arith.constant 0 : index
      %swap3A_687 = vector.load %arg6[%swap3A, %swap3A_686] : memref<2360x768xf32, #tpu.memory_space<vmem>>, vector<256x768xf32>
      tpu.vector_store %arg6[%swap3A, %swap3A_686], %dot_general3A_685 {strides = array<i32>} : memref<2360x768xf32, #tpu.memory_space<vmem>>, vector<256x768xf32>,
    }
    %while3A_608 = arith.constant 1 : i32
    scf.for %while3A_667 = %while3A_606 to %while3A_602 step %while3A_608  : i32 {
      %mul3A = arith.constant 256 : i32
      %mul3A_668 = arith.muli %while3A_667, %mul3A : i32
      %add3A = arith.addi %get3A_578, %mul3A_668 : i32
      %multiple_of3A = tpu.assume_multiple %add3A, 8 : i32
      %get3A_669 = arith.index_cast %multiple_of3A : i32 to index
      %get3A_670 = arith.constant 0 : index
      %get3A_671 = vector.load %arg2[%get3A_669, %get3A_670] : memref<2360x768xf32, #tpu.memory_space<vmem>>, vector<256x768xf32>
      %convert_element_type3A_672 = arith.truncf %get3A_671 : vector<256x768xf32> to vector<256x768xbf16>
      %get3A_673 = arith.index_cast %multiple_of3A : i32 to index
      %get3A_674 = arith.constant 0 : index
      %get3A_675 = vector.load %arg3[%get3A_673, %get3A_674] : memref<2360x128xf32, #tpu.memory_space<vmem>>, vector<256x64xf32>
      %convert_element_type3A_676 = arith.truncf %get3A_675 : vector<256x64xf32> to vector<256x64xbf16>
      %dot_general3A = arith.constant dense<0.000000e+00> : vector<256x1024xf32>
      %dot_general3A_677 = tpu.matmul %convert_element_type3A_672, %convert_element_type3A_586, %dot_general3A {dimension_numbers = #tpu.dot_dimension_numbers<[1], [1], [0], [0], [0, 0, 1, 0], [], []>, transpose_lhs_hint = false} : vector<256x768xbf16>, vector<1024x768xbf16>, vector<256x1024xf32> -> vector<256x1024xf32>
      %dot_general3A_678 = arith.constant dense<0.000000e+00> : vector<256x1024xf32>
      %dot_general3A_679 = tpu.matmul %convert_element_type3A_676, %convert_element_type3A_592, %dot_general3A_678 {dimension_numbers = #tpu.dot_dimension_numbers<[1], [1], [0], [0], [0, 0, 1, 0], [], []>, transpose_lhs_hint = false} : vector<256x64xbf16>, vector<1024x64xbf16>, vector<256x1024xf32> -> vector<256x1024xf32>
      %add3A_680 = arith.addf %dot_general3A_677, %dot_general3A_679 : vector<256x1024xf32>
      %max3A = arith.constant 0.000000e+00 : f32
      %max3A_681 = vector.broadcast %max3A : f32 to vector<256x1024xf32>
      %max3A_682 = arith.maximumf %add3A_680, %max3A_681 : vector<256x1024xf32>
      %convert_element_type3A_683 = arith.truncf %max3A_682 : vector<256x1024xf32> to vector<256x1024xbf16>
      %dot_general3A_684 = arith.constant dense<0.000000e+00> : vector<256x768xf32>
      %dot_general3A_685 = tpu.matmul %convert_element_type3A_683, %convert_element_type3A_598, %dot_general3A_684 {dimension_numbers = #tpu.dot_dimension_numbers<[1], [1], [0], [0], [0, 0, 1, 0], [], []>, transpose_lhs_hint = false} : vector<256x1024xbf16>, vector<768x1024xbf16>, vector<256x768xf32> -> vector<256x768xf32>
      %swap3A = arith.index_cast %multiple_of3A : i32 to index
      %swap3A_686 = arith.constant 0 : index
      %swap3A_687 = vector.load %arg6[%swap3A, %swap3A_686] : memref<2360x768xf32, #tpu.memory_space<vmem>>, vector<256x768xf32>
      tpu.vector_store %arg6[%swap3A, %swap3A_686], %dot_general3A_685 {strides = array<i32>} : memref<2360x768xf32, #tpu.memory_space<vmem>>, vector<256x768xf32>,
    }
    %dma_wait3A_609 = arith.constant 7 : i32
    %dma_wait3A_610 = arith.constant 1 : i32
    %dma_wait3A_611 = arith.constant 1 : i32
    %dma_wait3A_612 = tpu.memref_slice %arg9[%dma_wait3A_611] : memref<3x!tpu.dma_semaphore, #tpu.memory_space<semaphore_mem>> -> memref<1x!tpu.dma_semaphore, #tpu.memory_space<semaphore_mem>>
    %dma_wait3A_613 = tpu.memref_squeeze %dma_wait3A_612 : memref<1x!tpu.dma_semaphore, #tpu.memory_space<semaphore_mem>> -> memref<!tpu.dma_semaphore, #tpu.memory_space<semaphore_mem>>
    %dma_wait3A_614 = arith.constant 0 : i32
    %dma_wait3A_615 = arith.constant 0 : i32
    %dma_wait3A_616 = tpu.memref_slice %arg7[%dma_wait3A_610, %dma_wait3A_614, %dma_wait3A_615] : memref<3x1024x832xf32, #tpu.memory_space<vmem>> -> memref<1x1024x832xf32, #tpu.memory_space<vmem>>
    %dma_wait3A_617 = tpu.memref_squeeze %dma_wait3A_616 : memref<1x1024x832xf32, #tpu.memory_space<vmem>> -> memref<1024x832xf32, #tpu.memory_space<vmem>>
    %dma_wait3A_618 = arith.constant 0 : i32
    %dma_wait3A_619 = arith.constant 0 : i32
    %dma_wait3A_620 = tpu.memref_slice %arg4[%dma_wait3A_609, %dma_wait3A_618, %dma_wait3A_619] : memref<8x1024x832xf32, #tpu.memory_space<any>> -> memref<1x1024x832xf32, #tpu.memory_space<any>>
    %dma_wait3A_621 = tpu.memref_squeeze %dma_wait3A_620 : memref<1x1024x832xf32, #tpu.memory_space<any>> -> memref<1024x832xf32, #tpu.memory_space<any>>
    tpu.wait_dma2 semaphore(%dma_wait3A_613 : memref<!tpu.dma_semaphore, #tpu.memory_space<semaphore_mem>>) src(%dma_wait3A_621 : memref<1024x832xf32, #tpu.memory_space<any>>) dst(%dma_wait3A_617 : memref<1024x832xf32, #tpu.memory_space<vmem>>)
    %dma_wait3A_622 = arith.constant 7 : i32
    %dma_wait3A_623 = arith.constant 1 : i32
    %dma_wait3A_624 = arith.constant 1 : i32
    %dma_wait3A_625 = tpu.memref_slice %arg10[%dma_wait3A_624] : memref<3x!tpu.dma_semaphore, #tpu.memory_space<semaphore_mem>> -> memref<1x!tpu.dma_semaphore, #tpu.memory_space<semaphore_mem>>
    %dma_wait3A_626 = tpu.memref_squeeze %dma_wait3A_625 : memref<1x!tpu.dma_semaphore, #tpu.memory_space<semaphore_mem>> -> memref<!tpu.dma_semaphore, #tpu.memory_space<semaphore_mem>>
    %dma_wait3A_627 = arith.constant 0 : i32
    %dma_wait3A_628 = arith.constant 0 : i32
    %dma_wait3A_629 = tpu.memref_slice %arg8[%dma_wait3A_623, %dma_wait3A_627, %dma_wait3A_628] : memref<3x768x1024xf32, #tpu.memory_space<vmem>> -> memref<1x768x1024xf32, #tpu.memory_space<vmem>>
    %dma_wait3A_630 = tpu.memref_squeeze %dma_wait3A_629 : memref<1x768x1024xf32, #tpu.memory_space<vmem>> -> memref<768x1024xf32, #tpu.memory_space<vmem>>
    %dma_wait3A_631 = arith.constant 0 : i32
    %dma_wait3A_632 = arith.constant 0 : i32
    %dma_wait3A_633 = tpu.memref_slice %arg5[%dma_wait3A_622, %dma_wait3A_631, %dma_wait3A_632] : memref<8x768x1024xf32, #tpu.memory_space<any>> -> memref<1x768x1024xf32, #tpu.memory_space<any>>
    %dma_wait3A_634 = tpu.memref_squeeze %dma_wait3A_633 : memref<1x768x1024xf32, #tpu.memory_space<any>> -> memref<768x1024xf32, #tpu.memory_space<any>>
    tpu.wait_dma2 semaphore(%dma_wait3A_626 : memref<!tpu.dma_semaphore, #tpu.memory_space<semaphore_mem>>) src(%dma_wait3A_634 : memref<768x1024xf32, #tpu.memory_space<any>>) dst(%dma_wait3A_630 : memref<768x1024xf32, #tpu.memory_space<vmem>>)
    %get3A_635 = arith.constant 7 : index
    %get3A_636 = memref.load %arg1[%get3A_635] : memref<16xi32, #tpu.memory_space<smem>>
    %get3A_637 = arith.constant 15 : index
    %get3A_638 = memref.load %arg1[%get3A_637] : memref<16xi32, #tpu.memory_space<smem>>
    %get3A_639 = arith.constant 1 : index
    %get3A_640 = arith.constant 0 : index
    %get3A_641 = arith.constant 0 : index
    %get3A_642 = vector.load %arg7[%get3A_639, %get3A_640, %get3A_641] : memref<3x1024x832xf32, #tpu.memory_space<vmem>>, vector<1x1024x768xf32>
    %get3A_643 = vector.shape_cast %get3A_642 : vector<1x1024x768xf32> to vector<1024x768xf32>
    %convert_element_type3A_644 = arith.truncf %get3A_643 : vector<1024x768xf32> to vector<1024x768xbf16>
    %get3A_645 = arith.constant 1 : index
    %get3A_646 = arith.constant 0 : index
    %get3A_647 = arith.constant 768 : index
    %get3A_648 = vector.load %arg7[%get3A_645, %get3A_646, %get3A_647] : memref<3x1024x832xf32, #tpu.memory_space<vmem>>, vector<1x1024x64xf32>
    %get3A_649 = vector.shape_cast %get3A_648 : vector<1x1024x64xf32> to vector<1024x64xf32>
    %convert_element_type3A_650 = arith.truncf %get3A_649 : vector<1024x64xf32> to vector<1024x64xbf16>
    %get3A_651 = arith.constant 1 : index
    %get3A_652 = arith.constant 0 : index
    %get3A_653 = arith.constant 0 : index
    %get3A_654 = vector.load %arg8[%get3A_651, %get3A_652, %get3A_653] : memref<3x768x1024xf32, #tpu.memory_space<vmem>>, vector<1x768x1024xf32>
    %get3A_655 = vector.shape_cast %get3A_654 : vector<1x768x1024xf32> to vector<768x1024xf32>
    %convert_element_type3A_656 = arith.truncf %get3A_655 : vector<768x1024xf32> to vector<768x1024xbf16>
    %while3A_657 = arith.constant 0 : i32
    %while3A_658 = arith.constant 0 : i32
    %while3A_659 = arith.subi %get3A_638, %while3A_658 : i32
    %while3A_660 = arith.addi %while3A_658, %while3A_659 : i32
    %while3A_661 = arith.constant 1 : i32
    %while3A_662 = arith.divsi %while3A_659, %while3A_661 : i32
    %while3A_663 = arith.muli %while3A_662, %while3A_661 : i32
    %while3A_664 = arith.addi %while3A_658, %while3A_663 : i32
    %while3A_665 = arith.constant 1 : i32
    scf.for %while3A_667 = %while3A_658 to %while3A_664 step %while3A_665  : i32 {
      %mul3A = arith.constant 256 : i32
      %mul3A_668 = arith.muli %while3A_667, %mul3A : i32
      %add3A = arith.addi %get3A_636, %mul3A_668 : i32
      %multiple_of3A = tpu.assume_multiple %add3A, 8 : i32
      %get3A_669 = arith.index_cast %multiple_of3A : i32 to index
      %get3A_670 = arith.constant 0 : index
      %get3A_671 = vector.load %arg2[%get3A_669, %get3A_670] : memref<2360x768xf32, #tpu.memory_space<vmem>>, vector<256x768xf32>
      %convert_element_type3A_672 = arith.truncf %get3A_671 : vector<256x768xf32> to vector<256x768xbf16>
      %get3A_673 = arith.index_cast %multiple_of3A : i32 to index
      %get3A_674 = arith.constant 0 : index
      %get3A_675 = vector.load %arg3[%get3A_673, %get3A_674] : memref<2360x128xf32, #tpu.memory_space<vmem>>, vector<256x64xf32>
      %convert_element_type3A_676 = arith.truncf %get3A_675 : vector<256x64xf32> to vector<256x64xbf16>
      %dot_general3A = arith.constant dense<0.000000e+00> : vector<256x1024xf32>
      %dot_general3A_677 = tpu.matmul %convert_element_type3A_672, %convert_element_type3A_644, %dot_general3A {dimension_numbers = #tpu.dot_dimension_numbers<[1], [1], [0], [0], [0, 0, 1, 0], [], []>, transpose_lhs_hint = false} : vector<256x768xbf16>, vector<1024x768xbf16>, vector<256x1024xf32> -> vector<256x1024xf32>
      %dot_general3A_678 = arith.constant dense<0.000000e+00> : vector<256x1024xf32>
      %dot_general3A_679 = tpu.matmul %convert_element_type3A_676, %convert_element_type3A_650, %dot_general3A_678 {dimension_numbers = #tpu.dot_dimension_numbers<[1], [1], [0], [0], [0, 0, 1, 0], [], []>, transpose_lhs_hint = false} : vector<256x64xbf16>, vector<1024x64xbf16>, vector<256x1024xf32> -> vector<256x1024xf32>
      %add3A_680 = arith.addf %dot_general3A_677, %dot_general3A_679 : vector<256x1024xf32>
      %max3A = arith.constant 0.000000e+00 : f32
      %max3A_681 = vector.broadcast %max3A : f32 to vector<256x1024xf32>
      %max3A_682 = arith.maximumf %add3A_680, %max3A_681 : vector<256x1024xf32>
      %convert_element_type3A_683 = arith.truncf %max3A_682 : vector<256x1024xf32> to vector<256x1024xbf16>
      %dot_general3A_684 = arith.constant dense<0.000000e+00> : vector<256x768xf32>
      %dot_general3A_685 = tpu.matmul %convert_element_type3A_683, %convert_element_type3A_656, %dot_general3A_684 {dimension_numbers = #tpu.dot_dimension_numbers<[1], [1], [0], [0], [0, 0, 1, 0], [], []>, transpose_lhs_hint = false} : vector<256x1024xbf16>, vector<768x1024xbf16>, vector<256x768xf32> -> vector<256x768xf32>
      %swap3A = arith.index_cast %multiple_of3A : i32 to index
      %swap3A_686 = arith.constant 0 : index
      %swap3A_687 = vector.load %arg6[%swap3A, %swap3A_686] : memref<2360x768xf32, #tpu.memory_space<vmem>>, vector<256x768xf32>
      tpu.vector_store %arg6[%swap3A, %swap3A_686], %dot_general3A_685 {strides = array<i32>} : memref<2360x768xf32, #tpu.memory_space<vmem>>, vector<256x768xf32>,
    }
    %while3A_666 = arith.constant 1 : i32
    scf.for %while3A_667 = %while3A_664 to %while3A_660 step %while3A_666  : i32 {
      %mul3A = arith.constant 256 : i32
      %mul3A_668 = arith.muli %while3A_667, %mul3A : i32
      %add3A = arith.addi %get3A_636, %mul3A_668 : i32
      %multiple_of3A = tpu.assume_multiple %add3A, 8 : i32
      %get3A_669 = arith.index_cast %multiple_of3A : i32 to index
      %get3A_670 = arith.constant 0 : index
      %get3A_671 = vector.load %arg2[%get3A_669, %get3A_670] : memref<2360x768xf32, #tpu.memory_space<vmem>>, vector<256x768xf32>
      %convert_element_type3A_672 = arith.truncf %get3A_671 : vector<256x768xf32> to vector<256x768xbf16>
      %get3A_673 = arith.index_cast %multiple_of3A : i32 to index
      %get3A_674 = arith.constant 0 : index
      %get3A_675 = vector.load %arg3[%get3A_673, %get3A_674] : memref<2360x128xf32, #tpu.memory_space<vmem>>, vector<256x64xf32>
      %convert_element_type3A_676 = arith.truncf %get3A_675 : vector<256x64xf32> to vector<256x64xbf16>
      %dot_general3A = arith.constant dense<0.000000e+00> : vector<256x1024xf32>
      %dot_general3A_677 = tpu.matmul %convert_element_type3A_672, %convert_element_type3A_644, %dot_general3A {dimension_numbers = #tpu.dot_dimension_numbers<[1], [1], [0], [0], [0, 0, 1, 0], [], []>, transpose_lhs_hint = false} : vector<256x768xbf16>, vector<1024x768xbf16>, vector<256x1024xf32> -> vector<256x1024xf32>
      %dot_general3A_678 = arith.constant dense<0.000000e+00> : vector<256x1024xf32>
      %dot_general3A_679 = tpu.matmul %convert_element_type3A_676, %convert_element_type3A_650, %dot_general3A_678 {dimension_numbers = #tpu.dot_dimension_numbers<[1], [1], [0], [0], [0, 0, 1, 0], [], []>, transpose_lhs_hint = false} : vector<256x64xbf16>, vector<1024x64xbf16>, vector<256x1024xf32> -> vector<256x1024xf32>
      %add3A_680 = arith.addf %dot_general3A_677, %dot_general3A_679 : vector<256x1024xf32>
      %max3A = arith.constant 0.000000e+00 : f32
      %max3A_681 = vector.broadcast %max3A : f32 to vector<256x1024xf32>
      %max3A_682 = arith.maximumf %add3A_680, %max3A_681 : vector<256x1024xf32>
      %convert_element_type3A_683 = arith.truncf %max3A_682 : vector<256x1024xf32> to vector<256x1024xbf16>
      %dot_general3A_684 = arith.constant dense<0.000000e+00> : vector<256x768xf32>
      %dot_general3A_685 = tpu.matmul %convert_element_type3A_683, %convert_element_type3A_656, %dot_general3A_684 {dimension_numbers = #tpu.dot_dimension_numbers<[1], [1], [0], [0], [0, 0, 1, 0], [], []>, transpose_lhs_hint = false} : vector<256x1024xbf16>, vector<768x1024xbf16>, vector<256x768xf32> -> vector<256x768xf32>
      %swap3A = arith.index_cast %multiple_of3A : i32 to index
      %swap3A_686 = arith.constant 0 : index
      %swap3A_687 = vector.load %arg6[%swap3A, %swap3A_686] : memref<2360x768xf32, #tpu.memory_space<vmem>>, vector<256x768xf32>
      tpu.vector_store %arg6[%swap3A, %swap3A_686], %dot_general3A_685 {strides = array<i32>} : memref<2360x768xf32, #tpu.memory_space<vmem>>, vector<256x768xf32>,
    }
    return
  }
  func.func @transform_0(%arg0: i32, %arg1: memref<16xi32, #tpu.memory_space<smem>>) -> (i32, i32) {
    %c0_i32 = arith.constant 0 : i32
    %c0_i32_0 = arith.constant 0 : i32
    %c0_i32_1 = arith.constant 0 : i32
    return %c0_i32, %c0_i32_0 : i32, i32
  }
  func.func @transform_1(%arg0: i32, %arg1: memref<16xi32, #tpu.memory_space<smem>>) -> (i32, i32) {
    %c0_i32 = arith.constant 0 : i32
    %c0_i32_0 = arith.constant 0 : i32
    %c0_i32_1 = arith.constant 0 : i32
    return %c0_i32, %c0_i32_0 : i32, i32
  }
  func.func @transform_4(%arg0: i32, %arg1: memref<16xi32, #tpu.memory_space<smem>>) -> (i32, i32) {
    %c0_i32 = arith.constant 0 : i32
    %c0_i32_0 = arith.constant 0 : i32
    %c0_i32_1 = arith.constant 0 : i32
    return %c0_i32, %c0_i32_0 : i32, i32
  }
}

</mosaic_0001>

<sc_bundles>
// kernel: kernel.5.cloned.1.call-start
scs
__scs_entry_jumppad:
0x0: {  	(pc) =	sbr.rel $0x88, $3  }
0x1: {  	(tag) =	ssettag $0x0;
	lr =	simm.s32 $0x1  }
0x2: {  	[smem:$0x3F9B] =	sst lr;
	_ =	strace $0xD0000000  }
0x3: {  	_ = 	snop  }
0x4: {  	_ = 	snop  }
0x5: {  	_ = 	snop  }
0x6: {  	_ = 	snop  }
0x7: {  	_ = 	snop  }
__scs_overlays_trampoline_lowered:
0x8: {  	[smem:$0x3FAA] =	sst s0  }
0x9: {  	[smem:$0x3FAB] =	sst s1  }
0xa: {  	[smem:$0x3FAC] =	sst s2  }
0xb: {  	[smem:$0x3FAD] =	sst s3  }
0xc: {  	[smem:$0x3FAE] =	sst s4  }
0xd: {  	[smem:$0x3FAF] =	sst s5  }
0xe: {  	[smem:$0x3FB0] =	sst s6  }
0xf: {  	[smem:$0x3FB1] =	sst s7  }
0x10: {  	[smem:$0x3FB2] =	sst s8  }
0x11: {  	[smem:$0x3FB3] =	sst s9;
	s0 =	simm.s32 @!p0 $0x0  }
0x12: {  	s1 =	sld [smem:$0x3F99];
	s0 =	simm.s32 @p0 $0x1  }
0x13: {  	[smem:$0x3FB4] =	sst s0;
	s0 =	simm.s32 @!p1 $0x0  }
0x14: {  	s2 =	sld [smem:$0x3F98];
	s0 =	simm.s32 @p1 $0x1  }
0x15: {  	[smem:$0x3FB5] =	sst s0;
	s0 =	simm.s32 @!p2 $0x0  }
0x16: {  	s3 =	sld [smem:$0x3FDB];
	s0 =	simm.s32 @p2 $0x1  }
0x17: {  	s4 =	simm.s32 $0x1BF5;
	[smem:$0x3FB7] =	sst s0  }
0x18: {  	s0 =	sld [smem:$0x3F9A];
	_ =	swait.ge [sflag:s4], $0x0  }
0x19: {  	s7 =	sld [smem:$0x3F9B]  }
0x1a: {  	s8 =	sadd.s32 $0xFFFFE003, lr  }
0x1b: {  	s9 =	sadd.s32 $0xFFFFFEF7, lr;
	s5 =	simm.s32 $0xFFFFFFFF;
	p2 =	slt.u32 s8, $0xFFFFF086  }
0x1c: {  	p1 =	slt.u32 s9, $0xF7A;
	s5 =	simm.s32 @!p2 $0x0  }
0x1d: {  	s5 =	simm.s32 @p1 $0x1;
	p0 =	seq.s32 s7, s2  }
0x1e: {  	s7 =	smul.u32 @!p0 $0xF7A, s2;
	p2 =	seq.s32 @!p0 s5, $0x0  }
0x1f: {  	s9 =	smul.u32 $0xF7A, s1;
	s8 =	simm.s32 @!p0 $0x1BF5;
	p2 =	por !p2, p0  }
0x20: {  	[sflag:s8] =	ssyncset.s32 @!p0 $0xFFFFF086;
	s6 =	sadd.s32 @!p0 s3, s7;
	s7 =	simm.s32 @!p0 $0x108  }
0x21: {  	s3 =	sadd.s32 s3, s9;
	s6 =	sadd.s32 @!p0 $0x88, s6;
	s7 =	simm.s32 @p2 $0x1082  }
0x22: {  	[simem:s7], [sflag:s8] =	dma.local @!p0 [hbm:s6], $0xF7A  }
0x23: {  	s9 =	sor.u32 $0xD0000000, s2;
	s6 =	simm.s32 $0x108;
	_ =	swait.ge @!p0 [sflag:s8], $0x0  }
0x24: {  	s3 =	sadd.s32 $0x88, s3;
	s6 =	simm.s32 @!p1 $0x1082;
	[sflag:s4] =	ssyncset.s32 $0xFFFFF086  }
0x25: {  	[simem:s6], [sflag:s4] =	dma.local [hbm:s3], $0xF7A  }
0x26: {  	[smem:$0x3F9B] =	sst s1;
	(tag) =	ssettag s2;
	_ =	strace s9  }
0x27: {  	s1 =	sld [smem:$0x3FAB]  }
0x28: {  	s2 =	sld [smem:$0x3FAC]  }
0x29: {  	s4 =	sld [smem:$0x3FAE]  }
0x2a: {  	p0 =	seq.s32 s5, $0x0;
	s5 =	sld [smem:$0x3FAF]  }
0x2b: {  	s6 =	sld [smem:$0x3FB0]  }
0x2c: {  	s7 =	sld [smem:$0x3FB1]  }
0x2d: {  	s3 =	simm.s32 $0x108;
	s8 =	sld [smem:$0x3FB2]  }
0x2e: {  	s3 =	simm.s32 @!p0 $0x1082;
	s9 =	sld [smem:$0x3FB3]  }
0x2f: {  	lr =	sadd.s32 s0, s3;
	s0 =	sld [smem:$0x3FAA]  }
0x30: {  	s3 =	sld [smem:$0x3FAD]  }
0x31: {  	[smem:$0x3FB6] =	sst s10  }
0x32: {  	s10 =	sld [smem:$0x3FB4];
	_ =	sdelay $0x3  }
0x33: {  	p0 =	seq.s32 s10, $0x1;
	s10 =	sld [smem:$0x3FB6];
	_ =	sdelay $0x3  }
0x34: {  	[smem:$0x3FB6] =	sst s10  }
0x35: {  	s10 =	sld [smem:$0x3FB5];
	_ =	sdelay $0x3  }
0x36: {  	p1 =	seq.s32 s10, $0x1;
	s10 =	sld [smem:$0x3FB6];
	_ =	sdelay $0x3  }
0x37: {  	[smem:$0x3FB6] =	sst s10  }
0x38: {  	s10 =	sld [smem:$0x3FB7]  }
0x39: {  	_ = 	snop;
	(pc) =	sbr.ind lr, $3  }
0x3a: {  	_ = 	snop  }
0x3b: {  	_ = 	snop  }
0x3c: {  	p2 =	seq.s32 s10, $0x1;
	s10 =	sld [smem:$0x3FB6]  }
0x3d: {  	_ =	shalt  }
0x3e: {  	_ =	shalt  }
0x3f: {  	_ =	shalt  }
0x40: {  	_ =	shalt  }
0x41: {  	_ =	shalt  }
0x42: {  	_ =	shalt  }
0x43: {  	_ =	shalt  }
0x44: {  	_ =	shalt  }
0x45: {  	_ =	shalt  }
0x46: {  	_ =	shalt  }
0x47: {  	_ =	shalt  }
0x48: {  	_ =	shalt  }
0x49: {  	_ =	shalt  }
0x4a: {  	_ =	shalt  }
0x4b: {  	_ =	shalt  }
0x4c: {  	_ =	shalt  }
0x4d: {  	_ =	shalt  }
0x4e: {  	_ =	shalt  }
0x4f: {  	_ =	shalt  }
0x50: {  	_ =	shalt  }
0x51: {  	_ =	shalt  }
0x52: {  	_ =	shalt  }
0x53: {  	_ =	shalt  }
0x54: {  	_ =	shalt  }
0x55: {  	_ =	shalt  }
0x56: {  	_ =	shalt  }
0x57: {  	_ =	shalt  }
0x58: {  	_ =	shalt  }
0x59: {  	_ =	shalt  }
0x5a: {  	_ =	shalt  }
0x5b: {  	_ =	shalt  }
0x5c: {  	_ =	shalt  }
0x5d: {  	_ =	shalt  }
0x5e: {  	_ =	shalt  }
0x5f: {  	_ =	shalt  }
0x60: {  	_ =	shalt  }
0x61: {  	_ =	shalt  }
0x62: {  	_ =	shalt  }
0x63: {  	_ =	shalt  }
0x64: {  	_ =	shalt  }
0x65: {  	_ =	shalt  }
0x66: {  	_ =	shalt  }
0x67: {  	_ =	shalt  }
0x68: {  	_ =	shalt  }
0x69: {  	_ =	shalt  }
0x6a: {  	_ =	shalt  }
0x6b: {  	_ =	shalt  }
0x6c: {  	_ =	shalt  }
0x6d: {  	_ =	shalt  }
0x6e: {  	_ =	shalt  }
0x6f: {  	_ =	shalt  }
0x70: {  	_ =	shalt  }
0x71: {  	_ =	shalt  }
0x72: {  	_ =	shalt  }
0x73: {  	_ =	shalt  }
0x74: {  	_ =	shalt  }
0x75: {  	_ =	shalt  }
0x76: {  	_ =	shalt  }
0x77: {  	_ =	shalt  }
0x78: {  	_ =	shalt  }
0x79: {  	_ =	shalt  }
0x7a: {  	_ =	shalt  }
0x7b: {  	_ =	shalt  }
0x7c: {  	_ =	shalt  }
0x7d: {  	_ =	shalt  }
0x7e: {  	_ =	shalt  }
0x7f: {  	_ =	shalt  }
0x80: {  	_ =	shalt  }
0x81: {  	_ =	shalt  }
0x82: {  	_ =	shalt  }
0x83: {  	_ =	shalt  }
0x84: {  	_ =	shalt  }
0x85: {  	_ =	shalt  }
0x86: {  	_ =	shalt  }
0x87: {  	_ =	shalt  }
.Lfunc_end0:
.L_simem_size_0:
called_computation_lowered:
.L_overlay_start_0:
0x88: {  	s2 =	sld [smem:$0x3FD9]  }
0x89: {  	s3 =	sld [smem:$0x3FFE];
	_ =	sdelay $0x1  }
0x8a: {  	s1 =	srdreg.scid  }
0x8b: {  	s0 =	sand.u32 $0x1, s1  }
0x8c: {  	s17 =	sshll.u32 s0, $0xA;
	s2 =	sadd.s32 s3, s2  }
0x8d: {  	s2 =	sadd.s32 s2, s17  }
0x8e: {  	[smem:$0x3FC2] =	sst s2  }
0x8f: {  	_ = 	snop  }
0x90: {  	s2 =	sld [smem:$0x3FC9]  }
0x91: {  	s18 =	sld [smem:$0x3FC7]  }
0x92: {  	s4 =	sld [smem:$0x3FD0];
	(tm) =	ssettm $0x1  }
0x93: {  	s5 =	sld [smem:$0x3FFB];
	_ =	sdelay $0x3  }
0x94: {  	_ =	strace s5  }
0x95: {  	s5 =	sld [smem:$0x3FFC];
	_ =	sdelay $0x3  }
0x96: {  	_ =	strace s5  }
0x97: {  	s5 =	sld [smem:$0x3FFD];
	_ =	sdelay $0x3  }
0x98: {  	_ =	strace s5  }
0x99: {  	_ =	strace $0x8FFFFFFF  }
0x9a: {  	s19 =	sld [smem:$0x3FDB];
	_ =	sdelay $0x1  }
0x9b: {  	s6 =	simm.s32 $_scs_section_size  }
0x9c: {  	s7 =	simm.s32 $_size__tile_overlayer_lowered;
	s8 =	simm.s32 $_tile_overlayer_lowered  }
0x9d: {  	s22 =	simm.s32 $0x1BFF;
	s21 =	sshll.u32 s8, $0x1;
	s5 =	sadd.s32 s6, s19  }
0x9e: {  	s9 =	simm.s32 $0x0;
	s20 =	sshll.u32 s7, $0x1;
	s7 =	sadd.s32 s21, s5  }
0x9f: {  	[timem:s9], [sflag:s22] =	dma.local [hbm:s7], s20  }
0xa0: {  	_ =	swait.ge [sflag:s22], s20  }
0xa1: {  	s6 =	ssub.s32 $0x0, s20;
	[sflag:s22] =	ssyncset.done $0x0  }
0xa2: {  	[sflag:s22] =	ssyncadd.s32 s6;
	_ =	sdelay $0x1  }
0xa3: {  	s23 =	simm.s32 $0x1B8B  }
0xa4: {  	_ =	swait.ge [sflag:s23], $0x1  }
0xa5: {  	[sflag:s23] =	ssyncset.done $0x0  }
0xa6: {  	s25 =	simm.s32 $0x1B8E;
	s24 =	sld [smem:$0x3FFE];
	[sflag:s23] =	ssyncadd.s32 $0xFFFFFFFF  }
0xa7: {  	s26 =	simm.s32 $execute0_lowered;
	[smem:$0x3FD2] =	sst s25  }
0xa8: {  	s7 =	sshll.u32 s26, $0x1;
	_ =	strace $0x80000046;
	[dreg:$0x1] =	wrdreg $0xFFFFFFFF  }
0xa9: {  	s28 =	simm.s32 $_size_execute0_lowered;
	s5 =	sadd.s32 s5, s7;
	[dreg:$0x0] =	wrdreg $0x0  }
0xaa: {  	s7 =	sshll.u32 s28, $0x1;
	[dreg:$0x2] =	wrdreg s5  }
0xab: {  	[dreg:$0x3] =	wrdreg s7  }
0xac: {  	[dreg:$0x4] =	wrdreg $0xC0  }
0xad: {  	_ =	task [dreg:s9], $0x5FFFF  }
0xae: {  	[dreg:$0x1] =	wrdreg $0xFFFFFFFF  }
0xaf: {  	[dreg:$0x0] =	wrdreg $0x60  }
0xb0: {  	[dreg:$0x2] =	wrdreg s2  }
0xb1: {  	[dreg:$0x3] =	wrdreg s24  }
0xb2: {  	[dreg:$0x4] =	wrdreg s18  }
0xb3: {  	[dreg:$0x5] =	wrdreg s4  }
0xb4: {  	[dreg:$0x6] =	wrdreg $0x9  }
0xb5: {  	_ =	task.clear_ibuf [dreg:s9], $0x7FFFF;
	_ =	strace $0x90000046  }
0xb6: {  	s29 =	simm.s32 $0x9;
	_ =	strace $0x80000048  }
0xb7: {  	_ =	swait.ge [sflag:s29], $0x1  }
0xb8: {  	[sflag:s29] =	ssyncadd.s32 $0xFFFFFFFF  }
0xb9: {  	_ =	strace $0x90000048  }
0xba: {  	_ =	sfence  }
0xbb: {  	s30 =	sld [smem:$0x0];
	_ =	sdelay $0x2  }
0xbc: {  	s31 =	sshll.u32 s1, $0xD;
	s1 =	sshrl.u32 s1, $0x2  }
0xbd: {  	s3 =	sand.u32 $0x4000, s31;
	s1 =	sadd.s32 s1, s30  }
0xbe: {  	s0 =	sor.u32 s3, s0;
	s1 =	sshll.u32 s1, $0x11  }
0xbf: {  	s0 =	sor.u32 s1, s0  }
0xc0: {  	s0 =	sadd.s32 $0x8F2B, s0  }
0xc1: {  	[sflag:s0] =	ssyncadd.remote.s32 $0x1  }
0xc2: {  	_ =	sfence.sel $0xFFFF  }
0xc3: {  	[dreg:$0x0] =	wrdreg $0xFFFFFFFF;
	(pc) =	sbr.abs _section_cstart, $3  }
0xc4: {  	[dreg:$0x1] =	wrdreg $0xFFFFFFFF  }
0xc5: {  	_ =	task.clear_ibuf [dreg:s9], $0x2FFFF;
	_ =	strace $0x9FFFFFFF  }
0xc6: {  	(tm) =	ssettm $0x7FFFFFFF  }
0xc7: {  	_ =	shalt  }
tec
execute0_lowered:
.L_overlay_start_1:
0x0: {  	(tag) =	ssettag $0x1  }
0x1: {  	s2 =	rddreg [dreg:$0x0]  }
0x2: {  	s1 =	rddreg [dreg:$0x1]  }
0x3: {  	s4 =	rddreg [dreg:$0x2]  }
0x4: {  	s3 =	srdreg.scid;
	s5 =	rddreg [dreg:$0x3]  }
0x5: {  	s0 =	stileid.u32;
	s9 =	simm.s32 $0x100;
	s21 =	simm.s32 $0x900  }
0x6: {  	s10 =	simm.s32 $0x2;
	s22 =	simm.s32 $0x1100;
	s11 =	simm.s32 $0x40  }
0x7: {  	s23 =	simm.s32 $0x1900;
	s12 =	simm.s32 $0xC100;
	s24 =	simm.s32 $0x2100  }
0x8: {  	s13 =	simm.s32 $0x1;
	s25 =	simm.s32 $0x2900;
	s14 =	simm.s32 $0x3  }
0x9: {  	s6 =	sand.u32 $0x1, s3;
	[dreg:$0x5] =	wrdreg s5;
	s3 =	simm.s32 $0x0  }
0xa: {  	s26 =	simm.s32 $0x3100;
	s15 =	simm.s32 $0x3900;
	[smem:$0x7FF] =	sst s3  }
0xb: {  	s16 =	simm.s32 $0x4100;
	_ =	strace $0x80000047;
	[dreg:$0x9] =	wrdreg s21  }
0xc: {  	s17 =	simm.s32 $0x4900;
	s28 =	simm.s32 $0x9900;
	[dreg:$0xa] =	wrdreg s22  }
0xd: {  	s29 =	simm.s32 $0xA100;
	s30 =	simm.s32 $0xA900;
	[dreg:$0xb] =	wrdreg s23  }
0xe: {  	s31 =	simm.s32 $0xB100;
	s18 =	sshll.u32 s0, $0x4;
	[dreg:$0xc] =	wrdreg s24  }
0xf: {  	s7 =	sshll.u32 s6, $0x3;
	s6 =	ssub.s32 $0x2, s6;
	[dreg:$0xd] =	wrdreg s25  }
0x10: {  	s5 =	sor.u32 s7, s18;
	s19 =	sshrl.u32 s6, $0x1;
	[dreg:$0xe] =	wrdreg s26  }
0x11: {  	s18 =	simm.s32 $0x5100;
	s21 =	simm.s32 $0x6900;
	s22 =	simm.s32 $0x7100  }
0x12: {  	s23 =	simm.s32 $0x7900;
	s24 =	simm.s32 $0x8100;
	s25 =	simm.s32 $0x8900  }
0x13: {  	s26 =	simm.s32 $0x9100;
	s7 =	sadd.s32 s5, s1;
	s8 =	smul.u32 $0x300, s5  }
0x14: {  	s4 =	sadd.s32 s4, s5;
	s20 =	ssub.s32 s6, s19;
	s5 =	sadd.s32 $0x500, s1  }
0x15: {  	s6 =	sadd.s32 $0x600, s1;
	s7 =	sadd.s32 $0x200, s7;
	[dreg:$0x7] =	wrdreg s4  }
0x16: {  	v2 =	vlaneseq.u32;
	s19 =	simm.s32 $0x5900;
	s4 =	sadd.s32 $0x400, s1;
	[dreg:$0x6] =	wrdreg s7  }
0x17: {  	vm0 =	vmmov $0xffff;
	v1 =	vshrl.u32 v2, $0x3;
	s2 =	sadd.s32 s2, s8;
	s7 =	smax.u32 s20, $0x1;
	s8 =	simm.s32 $0x80  }
0x18: {  	v0 =	vand.u32 $0x7, v2;
	v2 =	vor.u32 $0x8, v2;
	v1 =	vmul.u32 $0x8, v1;
	s20 =	simm.s32 $0x6100;
	[dreg:$0x8] =	wrdreg s2;
	s2 =	simm.s32 $0xB900  }
.LBB2_1:
0x19: {  	s0 =	rddreg [dreg:$0x6]  }
0x1a: {  	[tilespmem:s3], [sflag:$0x1] =	stream.linear.gather [hbm4b:s0+s3], $0x40, $0x38;
	[tilespmem:$0xE100] =	vst v63  }
0x1b: {  	s1 =	rddreg [dreg:$0x7]  }
0x1c: {  	[tilespmem:s8], [sflag:$0x2] =	stream.linear.gather [hbm4b:s1+s3], $0x40, $0x38;
	[tilespmem:$0xE100] =	vst v63  }
0x1d: {  	s0 =	rddreg [dreg:$0x8]  }
0x1e: {  	[tilespmem:s9], [sflag:$0x3] =	stream.linear.gather [hbm4b:s0+s3], $0xC000, $0x38;
	[tilespmem:$0xE100] =	vst v63  }
0x1f: {  	_ =	swait.ge [sflag:s10], $0x40  }
0x20: {  	[sflag:s10] =	ssyncset.done $0x0  }
0x21: {  	[sflag:s10] =	ssyncadd.s32 $0xFFFFFFC0  }
0x22: {  	s1 =	rddreg [dreg:$0x1]  }
0x23: {  	[tilespmem:s12], [sflag:$0x2] =	stream.indirect.gather [hbm4b:s1+s11], $0x80, s8, s11, $0xb8;
	[tilespmem:$0xE100] =	vst v63  }
0x24: {  	_ =	swait.ge [sflag:s13], $0x40  }
0x25: {  	[sflag:s13] =	ssyncset.done $0x0  }
0x26: {  	[sflag:s13] =	ssyncadd.s32 $0xFFFFFFC0  }
0x27: {  	_ =	swait.ge [sflag:s14], $0xC000  }
0x28: {  	[sflag:s14] =	ssyncset.done $0x0  }
0x29: {  	[sflag:s14] =	ssyncadd.s32 $0xFFFF4000  }
0x2a: {  	v3 =	vld [tilespmem:$0x0];
	_ =	sdelay $0x4  }
0x2b: {  	v4 =	vshrl.u32 v3, $0x3  }
0x2c: {  	v4 =	vmul.u32 $0x30, v4  }
0x2d: {  	v3 =	vand.u32 $0x7, v3  }
0x2e: {  	v3 =	vor.u32 v3, v4  }
0x2f: {  	v4 =	vperm.xlane v3, v0;
	_ =	sdelay $0x1  }
0x30: {  	v4 =	vadd.s32 v1, v4;
	_ =	sdelay $0x3  }
0x31: {  	v3 =	vperm.xlane v3, v2  }
0x32: {  	[hbm4b:s4+s3] =	stream.indirect_vreg.scatter [tilespmem:s9], [sflag:$0x3], $0x80, v4, vm0, $0xb8;
	[tilespmem:$0xE100] =	vst v63  }
0x33: {  	s0 =	rddreg [dreg:$0x9];
	v3 =	vadd.s32 v1, v3  }
0x34: {  	[hbm4b:s5+s3] =	stream.indirect_vreg.scatter [tilespmem:s0], [sflag:$0x3], $0x80, v4, vm0, $0xb8;
	[tilespmem:$0xE100] =	vst v63  }
0x35: {  	s1 =	rddreg [dreg:$0xa]  }
0x36: {  	[hbm4b:s6+s3] =	stream.indirect_vreg.scatter [tilespmem:s1], [sflag:$0x3], $0x80, v4, vm0, $0xb8;
	[tilespmem:$0xE100] =	vst v63  }
0x37: {  	s0 =	rddreg [dreg:$0xb]  }
0x38: {  	[hbm4b:s4+s3] =	stream.indirect_vreg.scatter [tilespmem:s0], [sflag:$0x3], $0x80, v3, vm0, $0xb8;
	[tilespmem:$0xE100] =	vst v63  }
0x39: {  	s1 =	rddreg [dreg:$0xc]  }
0x3a: {  	[hbm4b:s5+s3] =	stream.indirect_vreg.scatter [tilespmem:s1], [sflag:$0x3], $0x80, v3, vm0, $0xb8;
	[tilespmem:$0xE100] =	vst v63  }
0x3b: {  	s0 =	rddreg [dreg:$0xd]  }
0x3c: {  	[hbm4b:s6+s3] =	stream.indirect_vreg.scatter [tilespmem:s0], [sflag:$0x3], $0x80, v3, vm0, $0xb8;
	[tilespmem:$0xE100] =	vst v63  }
0x3d: {  	v3 =	vld [tilespmem:$0x10];
	_ =	sdelay $0x4  }
0x3e: {  	v61 =	vshrl.u32 v3, $0x3  }
0x3f: {  	v4 =	vmul.u32 $0x30, v61  }
0x40: {  	v3 =	vand.u32 $0x7, v3  }
0x41: {  	v3 =	vor.u32 v3, v4  }
0x42: {  	v4 =	vperm.xlane v3, v0;
	_ =	sdelay $0x1  }
0x43: {  	v4 =	vadd.s32 v1, v4;
	_ =	sdelay $0x3  }
0x44: {  	s1 =	rddreg [dreg:$0xe];
	v3 =	vperm.xlane v3, v2  }
0x45: {  	[hbm4b:s4+s3] =	stream.indirect_vreg.scatter [tilespmem:s1], [sflag:$0x3], $0x80, v4, vm0, $0xb8;
	[tilespmem:$0xE100] =	vst v63  }
0x46: {  	v3 =	vadd.s32 v1, v3  }
0x47: {  	[hbm4b:s5+s3] =	stream.indirect_vreg.scatter [tilespmem:s15], [sflag:$0x3], $0x80, v4, vm0, $0xb8;
	[tilespmem:$0xE100] =	vst v63  }
0x48: {  	_ = 	snop  }
0x49: {  	[hbm4b:s6+s3] =	stream.indirect_vreg.scatter [tilespmem:s16], [sflag:$0x3], $0x80, v4, vm0, $0xb8;
	[tilespmem:$0xE100] =	vst v63  }
0x4a: {  	_ = 	snop  }
0x4b: {  	[hbm4b:s4+s3] =	stream.indirect_vreg.scatter [tilespmem:s17], [sflag:$0x3], $0x80, v3, vm0, $0xb8;
	[tilespmem:$0xE100] =	vst v63  }
0x4c: {  	_ = 	snop  }
0x4d: {  	[hbm4b:s5+s3] =	stream.indirect_vreg.scatter [tilespmem:s18], [sflag:$0x3], $0x80, v3, vm0, $0xb8;
	[tilespmem:$0xE100] =	vst v63  }
0x4e: {  	_ = 	snop  }
0x4f: {  	[hbm4b:s6+s3] =	stream.indirect_vreg.scatter [tilespmem:s19], [sflag:$0x3], $0x80, v3, vm0, $0xb8;
	[tilespmem:$0xE100] =	vst v63  }
0x50: {  	v3 =	vld [tilespmem:$0x20];
	_ =	sdelay $0x4  }
0x51: {  	v62 =	vshrl.u32 v3, $0x3  }
0x52: {  	v4 =	vmul.u32 $0x30, v62  }
0x53: {  	v3 =	vand.u32 $0x7, v3  }
0x54: {  	v3 =	vor.u32 v3, v4  }
0x55: {  	v4 =	vperm.xlane v3, v0;
	_ =	sdelay $0x1  }
0x56: {  	v4 =	vadd.s32 v1, v4;
	_ =	sdelay $0x3  }
0x57: {  	v3 =	vperm.xlane v3, v2  }
0x58: {  	[hbm4b:s4+s3] =	stream.indirect_vreg.scatter [tilespmem:s20], [sflag:$0x3], $0x80, v4, vm0, $0xb8;
	[tilespmem:$0xE100] =	vst v63  }
0x59: {  	v3 =	vadd.s32 v1, v3  }
0x5a: {  	[hbm4b:s5+s3] =	stream.indirect_vreg.scatter [tilespmem:s21], [sflag:$0x3], $0x80, v4, vm0, $0xb8;
	[tilespmem:$0xE100] =	vst v63  }
0x5b: {  	_ = 	snop  }
0x5c: {  	[hbm4b:s6+s3] =	stream.indirect_vreg.scatter [tilespmem:s22], [sflag:$0x3], $0x80, v4, vm0, $0xb8;
	[tilespmem:$0xE100] =	vst v63  }
0x5d: {  	_ = 	snop  }
0x5e: {  	[hbm4b:s4+s3] =	stream.indirect_vreg.scatter [tilespmem:s23], [sflag:$0x3], $0x80, v3, vm0, $0xb8;
	[tilespmem:$0xE100] =	vst v63  }
0x5f: {  	_ = 	snop  }
0x60: {  	[hbm4b:s5+s3] =	stream.indirect_vreg.scatter [tilespmem:s24], [sflag:$0x3], $0x80, v3, vm0, $0xb8;
	[tilespmem:$0xE100] =	vst v63  }
0x61: {  	_ = 	snop  }
0x62: {  	[hbm4b:s6+s3] =	stream.indirect_vreg.scatter [tilespmem:s25], [sflag:$0x3], $0x80, v3, vm0, $0xb8;
	[tilespmem:$0xE100] =	vst v63  }
0x63: {  	v3 =	vld [tilespmem:$0x30];
	_ =	sdelay $0x4  }
0x64: {  	v63 =	vshrl.u32 v3, $0x3  }
0x65: {  	v4 =	vmul.u32 $0x30, v63  }
0x66: {  	v3 =	vand.u32 $0x7, v3  }
0x67: {  	v3 =	vor.u32 v3, v4  }
0x68: {  	v4 =	vperm.xlane v3, v0;
	_ =	sdelay $0x1  }
0x69: {  	v4 =	vadd.s32 v1, v4;
	_ =	sdelay $0x3  }
0x6a: {  	v3 =	vperm.xlane v3, v2  }
0x6b: {  	[hbm4b:s4+s3] =	stream.indirect_vreg.scatter [tilespmem:s26], [sflag:$0x3], $0x80, v4, vm0, $0xb8;
	[tilespmem:$0xE100] =	vst v63  }
0x6c: {  	v3 =	vadd.s32 v1, v3  }
0x6d: {  	[hbm4b:s5+s3] =	stream.indirect_vreg.scatter [tilespmem:s28], [sflag:$0x3], $0x80, v4, vm0, $0xb8;
	[tilespmem:$0xE100] =	vst v63  }
0x6e: {  	_ = 	snop  }
0x6f: {  	[hbm4b:s6+s3] =	stream.indirect_vreg.scatter [tilespmem:s29], [sflag:$0x3], $0x80, v4, vm0, $0xb8;
	[tilespmem:$0xE100] =	vst v63  }
0x70: {  	_ = 	snop  }
0x71: {  	[hbm4b:s4+s3] =	stream.indirect_vreg.scatter [tilespmem:s30], [sflag:$0x3], $0x80, v3, vm0, $0xb8;
	[tilespmem:$0xE100] =	vst v63  }
0x72: {  	_ = 	snop  }
0x73: {  	[hbm4b:s5+s3] =	stream.indirect_vreg.scatter [tilespmem:s31], [sflag:$0x3], $0x80, v3, vm0, $0xb8;
	[tilespmem:$0xE100] =	vst v63  }
0x74: {  	_ = 	snop  }
0x75: {  	[hbm4b:s6+s3] =	stream.indirect_vreg.scatter [tilespmem:s2], [sflag:$0x3], $0x80, v3, vm0, $0xb8;
	[tilespmem:$0xE100] =	vst v63  }
0x76: {  	_ =	swait.ge [sflag:s10], $0x2000  }
0x77: {  	[sflag:s10] =	ssyncset.done $0x0  }
0x78: {  	s1 =	rddreg [dreg:$0x5];
	[sflag:s10] =	ssyncadd.s32 $0xFFFFE000  }
0x79: {  	[hbm4b:s1+s11] =	stream.indirect.scatter [tilespmem:s12], [sflag:$0x2], $0x80, s3, s11, $0xb8;
	[tilespmem:$0xE100] =	vst v63  }
0x7a: {  	p0 =	sne.s32 s7, $0x1;
	_ =	swait.ge [sflag:s14], $0xC000  }
.Ltmp0:
0x7b: {  	[sflag:s14] =	ssyncset.done $0x0;
	(pc) =	sbr.rel @p0 .LBB2_1-.Ltmp0, $4  }
0x7c: {  	[sflag:s14] =	ssyncadd.s32 $0xFFFF4000  }
0x7d: {  	_ =	swait.ge [sflag:s10], $0x2000  }
0x7e: {  	[sflag:s10] =	ssyncset.done $0x0  }
0x7f: {  	s7 =	sadd.s32 $0xFFFFFFFF, s7;
	[sflag:s10] =	ssyncadd.s32 $0xFFFFE000  }
0x80: {  	_ =	sfence.sel $0x180000  }
0x81: {  	[bflag:$0x0] =	sbarrier.arrive $0xFFFF  }
0x82: {  	_ =	strace $0x90000047  }
0x83: {  	s0 =	stileid.u32;
	[bflag:$0x2] =	sbarrier.arrive $0xFFFF  }
0x84: {  	p0 =	sne.s32 s0, $0x0;
	s0 =	rddreg [dreg:$0x4]  }
0x85: {  	s0 =	sadd.s32 @!p0 $0x100000, s0  }
0x86: {  	[sflag:s0] =	ssyncadd.tile.s32 @!p0 $0x1;
	_ =	shalt  }
.Lfunc_end2:
_tile_overlayer_lowered:
.L_overlay_start_2:
0x87: {  	(tag) =	ssettag $0x2  }
0x88: {  	s0 =	rddreg [dreg:$0x0];
	s2 =	stileid.u32  }
0x89: {  	s1 =	rddreg [dreg:$0x1];
	p0 =	sne.s32 s2, $0x0  }
0x8a: {  	s3 =	rddreg [dreg:$0x2];
	[bflag:$0x3] =	sbarrier.arrive $0xFFFF;
	s2 =	simm.s32 @!p0 $0x1C04  }
0x8b: {  	[timem:s3], [sflag:s2] =	dma.local @!p0 [hbm:s0], s1  }
0x8c: {  	s0 =	simm.s32 @!p0 $0x4  }
0x8d: {  	_ =	swait.ge @!p0 [sflag:s0], s1  }
0x8e: {  	s1 =	ssub.s32 @!p0 $0x0, s1;
	[sflag:s0] =	ssyncset.done @!p0 $0x0  }
0x8f: {  	[sflag:s0] =	ssyncadd.s32 @!p0 s1  }
0x90: {  	[bflag:$0x3] =	sbarrier.arrive $0xFFFF  }
0x91: {  	_ =	shalt  }

// kernel: kernel.8.cloned.1.call-start
scs
__scs_entry_jumppad:
0x0: {  	(pc) =	sbr.rel $0x88, $3  }
0x1: {  	(tag) =	ssettag $0x0;
	lr =	simm.s32 $0x1  }
0x2: {  	[smem:$0x3F9B] =	sst lr;
	_ =	strace $0xD0000000  }
0x3: {  	_ = 	snop  }
0x4: {  	_ = 	snop  }
0x5: {  	_ = 	snop  }
0x6: {  	_ = 	snop  }
0x7: {  	_ = 	snop  }
__scs_overlays_trampoline_lowered:
0x8: {  	[smem:$0x3FAA] =	sst s0  }
0x9: {  	[smem:$0x3FAB] =	sst s1  }
0xa: {  	[smem:$0x3FAC] =	sst s2  }
0xb: {  	[smem:$0x3FAD] =	sst s3  }
0xc: {  	[smem:$0x3FAE] =	sst s4  }
0xd: {  	[smem:$0x3FAF] =	sst s5  }
0xe: {  	[smem:$0x3FB0] =	sst s6  }
0xf: {  	[smem:$0x3FB1] =	sst s7  }
0x10: {  	[smem:$0x3FB2] =	sst s8  }
0x11: {  	[smem:$0x3FB3] =	sst s9;
	s0 =	simm.s32 @!p0 $0x0  }
0x12: {  	s1 =	sld [smem:$0x3F99];
	s0 =	simm.s32 @p0 $0x1  }
0x13: {  	[smem:$0x3FB4] =	sst s0;
	s0 =	simm.s32 @!p1 $0x0  }
0x14: {  	s2 =	sld [smem:$0x3F98];
	s0 =	simm.s32 @p1 $0x1  }
0x15: {  	[smem:$0x3FB5] =	sst s0;
	s0 =	simm.s32 @!p2 $0x0  }
0x16: {  	s3 =	sld [smem:$0x3FDB];
	s0 =	simm.s32 @p2 $0x1  }
0x17: {  	s4 =	simm.s32 $0x1BF5;
	[smem:$0x3FB7] =	sst s0  }
0x18: {  	s0 =	sld [smem:$0x3F9A];
	_ =	swait.ge [sflag:s4], $0x0  }
0x19: {  	s7 =	sld [smem:$0x3F9B]  }
0x1a: {  	s8 =	sadd.s32 $0xFFFFE003, lr  }
0x1b: {  	s9 =	sadd.s32 $0xFFFFFEF7, lr;
	s5 =	simm.s32 $0xFFFFFFFF;
	p2 =	slt.u32 s8, $0xFFFFF086  }
0x1c: {  	p1 =	slt.u32 s9, $0xF7A;
	s5 =	simm.s32 @!p2 $0x0  }
0x1d: {  	s5 =	simm.s32 @p1 $0x1;
	p0 =	seq.s32 s7, s2  }
0x1e: {  	s7 =	smul.u32 @!p0 $0xF7A, s2;
	p2 =	seq.s32 @!p0 s5, $0x0  }
0x1f: {  	s9 =	smul.u32 $0xF7A, s1;
	s8 =	simm.s32 @!p0 $0x1BF5;
	p2 =	por !p2, p0  }
0x20: {  	[sflag:s8] =	ssyncset.s32 @!p0 $0xFFFFF086;
	s6 =	sadd.s32 @!p0 s3, s7;
	s7 =	simm.s32 @!p0 $0x108  }
0x21: {  	s3 =	sadd.s32 s3, s9;
	s6 =	sadd.s32 @!p0 $0x88, s6;
	s7 =	simm.s32 @p2 $0x1082  }
0x22: {  	[simem:s7], [sflag:s8] =	dma.local @!p0 [hbm:s6], $0xF7A  }
0x23: {  	s9 =	sor.u32 $0xD0000000, s2;
	s6 =	simm.s32 $0x108;
	_ =	swait.ge @!p0 [sflag:s8], $0x0  }
0x24: {  	s3 =	sadd.s32 $0x88, s3;
	s6 =	simm.s32 @!p1 $0x1082;
	[sflag:s4] =	ssyncset.s32 $0xFFFFF086  }
0x25: {  	[simem:s6], [sflag:s4] =	dma.local [hbm:s3], $0xF7A  }
0x26: {  	[smem:$0x3F9B] =	sst s1;
	(tag) =	ssettag s2;
	_ =	strace s9  }
0x27: {  	s1 =	sld [smem:$0x3FAB]  }
0x28: {  	s2 =	sld [smem:$0x3FAC]  }
0x29: {  	s4 =	sld [smem:$0x3FAE]  }
0x2a: {  	p0 =	seq.s32 s5, $0x0;
	s5 =	sld [smem:$0x3FAF]  }
0x2b: {  	s6 =	sld [smem:$0x3FB0]  }
0x2c: {  	s7 =	sld [smem:$0x3FB1]  }
0x2d: {  	s3 =	simm.s32 $0x108;
	s8 =	sld [smem:$0x3FB2]  }
0x2e: {  	s3 =	simm.s32 @!p0 $0x1082;
	s9 =	sld [smem:$0x3FB3]  }
0x2f: {  	lr =	sadd.s32 s0, s3;
	s0 =	sld [smem:$0x3FAA]  }
0x30: {  	s3 =	sld [smem:$0x3FAD]  }
0x31: {  	[smem:$0x3FB6] =	sst s10  }
0x32: {  	s10 =	sld [smem:$0x3FB4];
	_ =	sdelay $0x3  }
0x33: {  	p0 =	seq.s32 s10, $0x1;
	s10 =	sld [smem:$0x3FB6];
	_ =	sdelay $0x3  }
0x34: {  	[smem:$0x3FB6] =	sst s10  }
0x35: {  	s10 =	sld [smem:$0x3FB5];
	_ =	sdelay $0x3  }
0x36: {  	p1 =	seq.s32 s10, $0x1;
	s10 =	sld [smem:$0x3FB6];
	_ =	sdelay $0x3  }
0x37: {  	[smem:$0x3FB6] =	sst s10  }
0x38: {  	s10 =	sld [smem:$0x3FB7]  }
0x39: {  	_ = 	snop;
	(pc) =	sbr.ind lr, $3  }
0x3a: {  	_ = 	snop  }
0x3b: {  	_ = 	snop  }
0x3c: {  	p2 =	seq.s32 s10, $0x1;
	s10 =	sld [smem:$0x3FB6]  }
0x3d: {  	_ =	shalt  }
0x3e: {  	_ =	shalt  }
0x3f: {  	_ =	shalt  }
0x40: {  	_ =	shalt  }
0x41: {  	_ =	shalt  }
0x42: {  	_ =	shalt  }
0x43: {  	_ =	shalt  }
0x44: {  	_ =	shalt  }
0x45: {  	_ =	shalt  }
0x46: {  	_ =	shalt  }
0x47: {  	_ =	shalt  }
0x48: {  	_ =	shalt  }
0x49: {  	_ =	shalt  }
0x4a: {  	_ =	shalt  }
0x4b: {  	_ =	shalt  }
0x4c: {  	_ =	shalt  }
0x4d: {  	_ =	shalt  }
0x4e: {  	_ =	shalt  }
0x4f: {  	_ =	shalt  }
0x50: {  	_ =	shalt  }
0x51: {  	_ =	shalt  }
0x52: {  	_ =	shalt  }
0x53: {  	_ =	shalt  }
0x54: {  	_ =	shalt  }
0x55: {  	_ =	shalt  }
0x56: {  	_ =	shalt  }
0x57: {  	_ =	shalt  }
0x58: {  	_ =	shalt  }
0x59: {  	_ =	shalt  }
0x5a: {  	_ =	shalt  }
0x5b: {  	_ =	shalt  }
0x5c: {  	_ =	shalt  }
0x5d: {  	_ =	shalt  }
0x5e: {  	_ =	shalt  }
0x5f: {  	_ =	shalt  }
0x60: {  	_ =	shalt  }
0x61: {  	_ =	shalt  }
0x62: {  	_ =	shalt  }
0x63: {  	_ =	shalt  }
0x64: {  	_ =	shalt  }
0x65: {  	_ =	shalt  }
0x66: {  	_ =	shalt  }
0x67: {  	_ =	shalt  }
0x68: {  	_ =	shalt  }
0x69: {  	_ =	shalt  }
0x6a: {  	_ =	shalt  }
0x6b: {  	_ =	shalt  }
0x6c: {  	_ =	shalt  }
0x6d: {  	_ =	shalt  }
0x6e: {  	_ =	shalt  }
0x6f: {  	_ =	shalt  }
0x70: {  	_ =	shalt  }
0x71: {  	_ =	shalt  }
0x72: {  	_ =	shalt  }
0x73: {  	_ =	shalt  }
0x74: {  	_ =	shalt  }
0x75: {  	_ =	shalt  }
0x76: {  	_ =	shalt  }
0x77: {  	_ =	shalt  }
0x78: {  	_ =	shalt  }
0x79: {  	_ =	shalt  }
0x7a: {  	_ =	shalt  }
0x7b: {  	_ =	shalt  }
0x7c: {  	_ =	shalt  }
0x7d: {  	_ =	shalt  }
0x7e: {  	_ =	shalt  }
0x7f: {  	_ =	shalt  }
0x80: {  	_ =	shalt  }
0x81: {  	_ =	shalt  }
0x82: {  	_ =	shalt  }
0x83: {  	_ =	shalt  }
0x84: {  	_ =	shalt  }
0x85: {  	_ =	shalt  }
0x86: {  	_ =	shalt  }
0x87: {  	_ =	shalt  }
.Lfunc_end0:
.L_simem_size_0:
called_computation.1_lowered:
.L_overlay_start_0:
0x88: {  	s2 =	sld [smem:$0x3FD9]  }
0x89: {  	s3 =	sld [smem:$0x3FFE];
	_ =	sdelay $0x1  }
0x8a: {  	s1 =	srdreg.scid  }
0x8b: {  	s0 =	sand.u32 $0x1, s1  }
0x8c: {  	s17 =	sshll.u32 s0, $0xA;
	s2 =	sadd.s32 s3, s2  }
0x8d: {  	s2 =	sadd.s32 s2, s17  }
0x8e: {  	[smem:$0x3FC2] =	sst s2  }
0x8f: {  	_ = 	snop  }
0x90: {  	s2 =	sld [smem:$0x3FD0];
	(tm) =	ssettm $0x1  }
0x91: {  	s18 =	sld [smem:$0x3FFB];
	_ =	sdelay $0x3  }
0x92: {  	_ =	strace s18  }
0x93: {  	s3 =	sld [smem:$0x3FFC];
	_ =	sdelay $0x3  }
0x94: {  	_ =	strace s3  }
0x95: {  	s3 =	sld [smem:$0x3FFD];
	_ =	sdelay $0x3  }
0x96: {  	_ =	strace s3  }
0x97: {  	_ =	strace $0x8FFFFFFF  }
0x98: {  	s19 =	sld [smem:$0x3FDB];
	_ =	sdelay $0x1  }
0x99: {  	s4 =	simm.s32 $_scs_section_size  }
0x9a: {  	s5 =	simm.s32 $_size__tile_overlayer_lowered;
	s6 =	simm.s32 $_tile_overlayer_lowered  }
0x9b: {  	s22 =	simm.s32 $0x1BFF;
	s21 =	sshll.u32 s6, $0x1;
	s3 =	sadd.s32 s4, s19  }
0x9c: {  	s7 =	simm.s32 $0x0;
	s20 =	sshll.u32 s5, $0x1;
	s5 =	sadd.s32 s21, s3  }
0x9d: {  	[timem:s7], [sflag:s22] =	dma.local [hbm:s5], s20  }
0x9e: {  	_ =	swait.ge [sflag:s22], s20  }
0x9f: {  	s4 =	ssub.s32 $0x0, s20;
	[sflag:s22] =	ssyncset.done $0x0  }
0xa0: {  	[sflag:s22] =	ssyncadd.s32 s4;
	_ =	sdelay $0x1  }
0xa1: {  	s23 =	simm.s32 $0x1B8B  }
0xa2: {  	_ =	swait.ge [sflag:s23], $0x1  }
0xa3: {  	[sflag:s23] =	ssyncset.done $0x0  }
0xa4: {  	s25 =	simm.s32 $0x1B8E;
	s24 =	sld [smem:$0x3FFE];
	[sflag:s23] =	ssyncadd.s32 $0xFFFFFFFF  }
0xa5: {  	s26 =	simm.s32 $execute0_lowered;
	[smem:$0x3FD2] =	sst s25  }
0xa6: {  	s5 =	sshll.u32 s26, $0x1;
	_ =	strace $0x80000049;
	[dreg:$0x1] =	wrdreg $0xFFFFFFFF  }
0xa7: {  	s28 =	simm.s32 $_size_execute0_lowered;
	s3 =	sadd.s32 s3, s5;
	[dreg:$0x0] =	wrdreg $0x0  }
0xa8: {  	s5 =	sshll.u32 s28, $0x1;
	[dreg:$0x2] =	wrdreg s3  }
0xa9: {  	[dreg:$0x3] =	wrdreg s5  }
0xaa: {  	[dreg:$0x4] =	wrdreg $0xC0  }
0xab: {  	_ =	task [dreg:s7], $0x5FFFF  }
0xac: {  	[dreg:$0x1] =	wrdreg $0xFFFFFFFF  }
0xad: {  	[dreg:$0x0] =	wrdreg $0x60  }
0xae: {  	[dreg:$0x2] =	wrdreg s24  }
0xaf: {  	[dreg:$0x3] =	wrdreg s2  }
0xb0: {  	[dreg:$0x4] =	wrdreg $0x9  }
0xb1: {  	_ =	task.clear_ibuf [dreg:s7], $0x5FFFF;
	_ =	strace $0x90000049  }
0xb2: {  	s29 =	simm.s32 $0x9;
	_ =	strace $0x8000004B  }
0xb3: {  	_ =	swait.ge [sflag:s29], $0x1  }
0xb4: {  	[sflag:s29] =	ssyncadd.s32 $0xFFFFFFFF  }
0xb5: {  	_ =	strace $0x9000004B  }
0xb6: {  	_ =	sfence  }
0xb7: {  	s30 =	sld [smem:$0x0];
	_ =	sdelay $0x2  }
0xb8: {  	s31 =	sshll.u32 s1, $0xD;
	s1 =	sshrl.u32 s1, $0x2  }
0xb9: {  	s3 =	sand.u32 $0x4000, s31;
	s1 =	sadd.s32 s1, s30  }
0xba: {  	s0 =	sor.u32 s3, s0;
	s1 =	sshll.u32 s1, $0x11  }
0xbb: {  	s0 =	sor.u32 s1, s0  }
0xbc: {  	s0 =	sadd.s32 $0x8F2B, s0  }
0xbd: {  	[sflag:s0] =	ssyncadd.remote.s32 $0x1  }
0xbe: {  	_ =	sfence.sel $0xFFFF  }
0xbf: {  	[dreg:$0x0] =	wrdreg $0xFFFFFFFF;
	(pc) =	sbr.abs _section_cstart, $3  }
0xc0: {  	[dreg:$0x1] =	wrdreg $0xFFFFFFFF  }
0xc1: {  	_ =	task.clear_ibuf [dreg:s7], $0x2FFFF;
	_ =	strace $0x9FFFFFFF  }
0xc2: {  	(tm) =	ssettm $0x7FFFFFFF  }
0xc3: {  	_ =	shalt  }
tec
execute0_lowered:
.L_overlay_start_1:
0x0: {  	(tag) =	ssettag $0x1  }
0x1: {  	s0 =	rddreg [dreg:$0x0]  }
0x2: {  	s5 =	rddreg [dreg:$0x1];
	s3 =	srdreg.scid  }
0x3: {  	s2 =	simm.s32 $0x0;
	s1 =	stileid.u32;
	s26 =	simm.s32 $0x880  }
0x4: {  	s10 =	simm.s32 $0x1880;
	s11 =	simm.s32 $0x2080;
	s12 =	simm.s32 $0x2880  }
0x5: {  	s13 =	simm.s32 $0x3080;
	s14 =	simm.s32 $0x3880;
	s15 =	simm.s32 $0x4080  }
0x6: {  	s16 =	simm.s32 $0x4880;
	s17 =	simm.s32 $0x5080;
	s18 =	simm.s32 $0x5880  }
0x7: {  	s19 =	simm.s32 $0x6080;
	s20 =	simm.s32 $0x6880;
	s21 =	simm.s32 $0x7080  }
0x8: {  	s22 =	simm.s32 $0x7880;
	s28 =	simm.s32 $0xA080;
	s29 =	simm.s32 $0xA880  }
0x9: {  	s30 =	simm.s32 $0xB080;
	s31 =	simm.s32 $0xB880;
	s3 =	sand.u32 $0x1, s3  }
0xa: {  	[smem:$0x7FF] =	sst s2;
	s4 =	sshll.u32 s1, $0x4;
	s6 =	sshll.u32 s3, $0x3  }
0xb: {  	_ =	strace $0x8000004A;
	s23 =	ssub.s32 $0x2, s3;
	s3 =	sadd.s32 $0x400, s0  }
0xc: {  	[dreg:$0x5] =	wrdreg s26;
	s26 =	simm.s32 $0x9880;
	s4 =	sor.u32 s6, s4  }
0xd: {  	s8 =	sshrl.u32 s23, $0x1;
	s7 =	sadd.s32 s4, s0;
	s9 =	smul.u32 $0x300, s4  }
0xe: {  	s6 =	ssub.s32 s23, s8;
	s4 =	sadd.s32 $0x500, s0;
	s8 =	simm.s32 $0x80  }
0xf: {  	s23 =	simm.s32 $0x8080;
	s24 =	sadd.s32 $0x200, s7;
	s6 =	smax.u32 s6, $0x1  }
0x10: {  	v2 =	vlaneseq.u32;
	s7 =	simm.s32 $0x2;
	[dreg:$0x3] =	wrdreg s24;
	s25 =	sadd.s32 s5, s9  }
0x11: {  	vm0 =	vmmov $0xffff;
	v1 =	vshrl.u32 v2, $0x3;
	s5 =	sadd.s32 $0x600, s0;
	s9 =	simm.s32 $0x1080;
	s24 =	simm.s32 $0x8880  }
0x12: {  	v0 =	vand.u32 $0x7, v2;
	v2 =	vor.u32 $0x8, v2;
	v1 =	vmul.u32 $0x8, v1;
	s0 =	simm.s32 $0x1;
	[dreg:$0x4] =	wrdreg s25;
	s25 =	simm.s32 $0x9080  }
.LBB2_1:
0x13: {  	s1 =	rddreg [dreg:$0x3]  }
0x14: {  	[tilespmem:s2], [sflag:$0x2] =	stream.linear.gather [hbm4b:s1+s2], $0x40, $0x38;
	[tilespmem:$0xC080] =	vst v63  }
0x15: {  	_ =	swait.ge [sflag:s7], $0x40  }
0x16: {  	[sflag:s7] =	ssyncset.done $0x0  }
0x17: {  	[sflag:s7] =	ssyncadd.s32 $0xFFFFFFC0  }
0x18: {  	v3 =	vld [tilespmem:$0x0];
	_ =	sdelay $0x4  }
0x19: {  	v4 =	vshrl.u32 v3, $0x3  }
0x1a: {  	v4 =	vmul.u32 $0x30, v4  }
0x1b: {  	v3 =	vand.u32 $0x7, v3  }
0x1c: {  	v3 =	vor.u32 v3, v4  }
0x1d: {  	v4 =	vperm.xlane v3, v0;
	_ =	sdelay $0x1  }
0x1e: {  	v4 =	vadd.s32 v1, v4;
	_ =	sdelay $0x3  }
0x1f: {  	v3 =	vperm.xlane v3, v2  }
0x20: {  	[tilespmem:s8], [sflag:$0x1] =	stream.indirect_vreg.gather [hbm4b:s3+s2], $0x80, v4, vm0, $0xb8;
	[tilespmem:$0xC080] =	vst v63  }
0x21: {  	s1 =	rddreg [dreg:$0x5];
	v3 =	vadd.s32 v1, v3  }
0x22: {  	[tilespmem:s1], [sflag:$0x1] =	stream.indirect_vreg.gather [hbm4b:s4+s2], $0x80, v4, vm0, $0xb8;
	[tilespmem:$0xC080] =	vst v63  }
0x23: {  	_ = 	snop  }
0x24: {  	[tilespmem:s9], [sflag:$0x1] =	stream.indirect_vreg.gather [hbm4b:s5+s2], $0x80, v4, vm0, $0xb8;
	[tilespmem:$0xC080] =	vst v63  }
0x25: {  	_ = 	snop  }
0x26: {  	[tilespmem:s10], [sflag:$0x1] =	stream.indirect_vreg.gather [hbm4b:s3+s2], $0x80, v3, vm0, $0xb8;
	[tilespmem:$0xC080] =	vst v63  }
0x27: {  	_ = 	snop  }
0x28: {  	[tilespmem:s11], [sflag:$0x1] =	stream.indirect_vreg.gather [hbm4b:s4+s2], $0x80, v3, vm0, $0xb8;
	[tilespmem:$0xC080] =	vst v63  }
0x29: {  	_ = 	snop  }
0x2a: {  	[tilespmem:s12], [sflag:$0x1] =	stream.indirect_vreg.gather [hbm4b:s5+s2], $0x80, v3, vm0, $0xb8;
	[tilespmem:$0xC080] =	vst v63  }
0x2b: {  	v3 =	vld [tilespmem:$0x10];
	_ =	sdelay $0x4  }
0x2c: {  	v61 =	vshrl.u32 v3, $0x3  }
0x2d: {  	v4 =	vmul.u32 $0x30, v61  }
0x2e: {  	v3 =	vand.u32 $0x7, v3  }
0x2f: {  	v3 =	vor.u32 v3, v4  }
0x30: {  	v4 =	vperm.xlane v3, v0;
	_ =	sdelay $0x1  }
0x31: {  	v4 =	vadd.s32 v1, v4;
	_ =	sdelay $0x3  }
0x32: {  	v3 =	vperm.xlane v3, v2  }
0x33: {  	[tilespmem:s13], [sflag:$0x1] =	stream.indirect_vreg.gather [hbm4b:s3+s2], $0x80, v4, vm0, $0xb8;
	[tilespmem:$0xC080] =	vst v63  }
0x34: {  	v3 =	vadd.s32 v1, v3  }
0x35: {  	[tilespmem:s14], [sflag:$0x1] =	stream.indirect_vreg.gather [hbm4b:s4+s2], $0x80, v4, vm0, $0xb8;
	[tilespmem:$0xC080] =	vst v63  }
0x36: {  	_ = 	snop  }
0x37: {  	[tilespmem:s15], [sflag:$0x1] =	stream.indirect_vreg.gather [hbm4b:s5+s2], $0x80, v4, vm0, $0xb8;
	[tilespmem:$0xC080] =	vst v63  }
0x38: {  	_ = 	snop  }
0x39: {  	[tilespmem:s16], [sflag:$0x1] =	stream.indirect_vreg.gather [hbm4b:s3+s2], $0x80, v3, vm0, $0xb8;
	[tilespmem:$0xC080] =	vst v63  }
0x3a: {  	_ = 	snop  }
0x3b: {  	[tilespmem:s17], [sflag:$0x1] =	stream.indirect_vreg.gather [hbm4b:s4+s2], $0x80, v3, vm0, $0xb8;
	[tilespmem:$0xC080] =	vst v63  }
0x3c: {  	_ = 	snop  }
0x3d: {  	[tilespmem:s18], [sflag:$0x1] =	stream.indirect_vreg.gather [hbm4b:s5+s2], $0x80, v3, vm0, $0xb8;
	[tilespmem:$0xC080] =	vst v63  }
0x3e: {  	v3 =	vld [tilespmem:$0x20];
	_ =	sdelay $0x4  }
0x3f: {  	v62 =	vshrl.u32 v3, $0x3  }
0x40: {  	v4 =	vmul.u32 $0x30, v62  }
0x41: {  	v3 =	vand.u32 $0x7, v3  }
0x42: {  	v3 =	vor.u32 v3, v4  }
0x43: {  	v4 =	vperm.xlane v3, v0;
	_ =	sdelay $0x1  }
0x44: {  	v4 =	vadd.s32 v1, v4;
	_ =	sdelay $0x3  }
0x45: {  	v3 =	vperm.xlane v3, v2  }
0x46: {  	[tilespmem:s19], [sflag:$0x1] =	stream.indirect_vreg.gather [hbm4b:s3+s2], $0x80, v4, vm0, $0xb8;
	[tilespmem:$0xC080] =	vst v63  }
0x47: {  	v3 =	vadd.s32 v1, v3  }
0x48: {  	[tilespmem:s20], [sflag:$0x1] =	stream.indirect_vreg.gather [hbm4b:s4+s2], $0x80, v4, vm0, $0xb8;
	[tilespmem:$0xC080] =	vst v63  }
0x49: {  	_ = 	snop  }
0x4a: {  	[tilespmem:s21], [sflag:$0x1] =	stream.indirect_vreg.gather [hbm4b:s5+s2], $0x80, v4, vm0, $0xb8;
	[tilespmem:$0xC080] =	vst v63  }
0x4b: {  	_ = 	snop  }
0x4c: {  	[tilespmem:s22], [sflag:$0x1] =	stream.indirect_vreg.gather [hbm4b:s3+s2], $0x80, v3, vm0, $0xb8;
	[tilespmem:$0xC080] =	vst v63  }
0x4d: {  	_ = 	snop  }
0x4e: {  	[tilespmem:s23], [sflag:$0x1] =	stream.indirect_vreg.gather [hbm4b:s4+s2], $0x80, v3, vm0, $0xb8;
	[tilespmem:$0xC080] =	vst v63  }
0x4f: {  	_ = 	snop  }
0x50: {  	[tilespmem:s24], [sflag:$0x1] =	stream.indirect_vreg.gather [hbm4b:s5+s2], $0x80, v3, vm0, $0xb8;
	[tilespmem:$0xC080] =	vst v63  }
0x51: {  	v3 =	vld [tilespmem:$0x30];
	_ =	sdelay $0x4  }
0x52: {  	v63 =	vshrl.u32 v3, $0x3  }
0x53: {  	v4 =	vmul.u32 $0x30, v63  }
0x54: {  	v3 =	vand.u32 $0x7, v3  }
0x55: {  	v3 =	vor.u32 v3, v4  }
0x56: {  	v4 =	vperm.xlane v3, v0;
	_ =	sdelay $0x1  }
0x57: {  	v4 =	vadd.s32 v1, v4;
	_ =	sdelay $0x3  }
0x58: {  	v3 =	vperm.xlane v3, v2  }
0x59: {  	[tilespmem:s25], [sflag:$0x1] =	stream.indirect_vreg.gather [hbm4b:s3+s2], $0x80, v4, vm0, $0xb8;
	[tilespmem:$0xC080] =	vst v63  }
0x5a: {  	v3 =	vadd.s32 v1, v3  }
0x5b: {  	[tilespmem:s26], [sflag:$0x1] =	stream.indirect_vreg.gather [hbm4b:s4+s2], $0x80, v4, vm0, $0xb8;
	[tilespmem:$0xC080] =	vst v63  }
0x5c: {  	_ = 	snop  }
0x5d: {  	[tilespmem:s28], [sflag:$0x1] =	stream.indirect_vreg.gather [hbm4b:s5+s2], $0x80, v4, vm0, $0xb8;
	[tilespmem:$0xC080] =	vst v63  }
0x5e: {  	_ = 	snop  }
0x5f: {  	[tilespmem:s29], [sflag:$0x1] =	stream.indirect_vreg.gather [hbm4b:s3+s2], $0x80, v3, vm0, $0xb8;
	[tilespmem:$0xC080] =	vst v63  }
0x60: {  	_ = 	snop  }
0x61: {  	[tilespmem:s30], [sflag:$0x1] =	stream.indirect_vreg.gather [hbm4b:s4+s2], $0x80, v3, vm0, $0xb8;
	[tilespmem:$0xC080] =	vst v63  }
0x62: {  	_ = 	snop  }
0x63: {  	[tilespmem:s31], [sflag:$0x1] =	stream.indirect_vreg.gather [hbm4b:s5+s2], $0x80, v3, vm0, $0xb8;
	[tilespmem:$0xC080] =	vst v63  }
0x64: {  	_ =	swait.ge [sflag:s0], $0xC000  }
0x65: {  	p0 =	sne.s32 s6, $0x1;
	[sflag:s0] =	ssyncset.done $0x0  }
.Ltmp0:
0x66: {  	s1 =	rddreg [dreg:$0x4];
	[sflag:s0] =	ssyncadd.s32 $0xFFFF4000;
	(pc) =	sbr.rel @p0 .LBB2_1-.Ltmp0, $4  }
0x67: {  	[hbm4b:s1+s2] =	stream.linear.scatter [tilespmem:s8], [sflag:$0x2], $0xC000, $0x38;
	[tilespmem:$0xC080] =	vst v63  }
0x68: {  	_ =	swait.ge [sflag:s7], $0xC000  }
0x69: {  	[sflag:s7] =	ssyncset.done $0x0  }
0x6a: {  	s6 =	sadd.s32 $0xFFFFFFFF, s6;
	[sflag:s7] =	ssyncadd.s32 $0xFFFF4000  }
0x6b: {  	_ =	sfence.sel $0x180000  }
0x6c: {  	[bflag:$0x0] =	sbarrier.arrive $0xFFFF  }
0x6d: {  	_ =	strace $0x9000004A  }
0x6e: {  	s0 =	stileid.u32;
	[bflag:$0x2] =	sbarrier.arrive $0xFFFF  }
0x6f: {  	p0 =	sne.s32 s0, $0x0;
	s0 =	rddreg [dreg:$0x2]  }
0x70: {  	s0 =	sadd.s32 @!p0 $0x100000, s0  }
0x71: {  	[sflag:s0] =	ssyncadd.tile.s32 @!p0 $0x1;
	_ =	shalt  }
.Lfunc_end2:
_tile_overlayer_lowered:
.L_overlay_start_2:
0x72: {  	(tag) =	ssettag $0x2  }
0x73: {  	s0 =	rddreg [dreg:$0x0];
	s2 =	stileid.u32  }
0x74: {  	s1 =	rddreg [dreg:$0x1];
	p0 =	sne.s32 s2, $0x0  }
0x75: {  	s3 =	rddreg [dreg:$0x2];
	[bflag:$0x3] =	sbarrier.arrive $0xFFFF;
	s2 =	simm.s32 @!p0 $0x1C02  }
0x76: {  	[timem:s3], [sflag:s2] =	dma.local @!p0 [hbm:s0], s1  }
0x77: {  	s0 =	simm.s32 @!p0 $0x2  }
0x78: {  	_ =	swait.ge @!p0 [sflag:s0], s1  }
0x79: {  	s1 =	ssub.s32 @!p0 $0x0, s1;
	[sflag:s0] =	ssyncset.done @!p0 $0x0  }
0x7a: {  	[sflag:s0] =	ssyncadd.s32 @!p0 s1  }
0x7b: {  	[bflag:$0x3] =	sbarrier.arrive $0xFFFF  }
0x7c: {  	_ =	shalt  }

</sc_bundles>
